<compile_context>
chip_gen: v7x
topology: tpu7x:2x2x1
jax: 0.10.2.dev20260603
libtpu: 0.0.44.dev20260713+nightly
codegen_flags: <defaults>
</compile_context>

<pallas_src>
import functools

import jax
import jax.numpy as jnp
from jax import lax
from jax.experimental import pallas as pl
from jax.experimental.pallas import tpu as pltpu
from jax.experimental.pallas import tpu_sc as plsc

_NC = 2
_NS = 16
_NW = _NC * _NS
_L = 16

_MAGIC = 12582912.0


@functools.lru_cache(maxsize=None)
def _make_gather(n, dims):
    d0, d1, d2, d3 = dims
    per_w = n // _NW
    chunk = 8192
    sizes = [chunk] * (per_w // chunk)
    assert sum(sizes) == per_w
    offs = [sum(sizes[:i]) for i in range(len(sizes))]
    n_chunks = len(sizes)

    s0, s1, s2, s3 = float(d0), float(d1), float(d2), float(d3)
    st0, st2, st3 = float(d1 * d2 * d3), float(d1 * d3), float(d1)

    mesh = plsc.VectorSubcoreMesh(core_axis_name="c", subcore_axis_name="s")

    @functools.partial(
        pl.kernel,
        out_type=jax.ShapeDtypeStruct((n,), jnp.float32),
        mesh=mesh,
        compiler_params=pltpu.CompilerParams(needs_layout_passes=False),
        scratch_types=[
            pltpu.VMEM((chunk * 4,), jnp.float32),
            pltpu.VMEM((chunk * 4,), jnp.float32),
            pltpu.VMEM((chunk,), jnp.float32),
            pltpu.VMEM((chunk,), jnp.float32),
            pltpu.SemaphoreType.DMA,
            pltpu.SemaphoreType.DMA,
            pltpu.SemaphoreType.DMA,
            pltpu.SemaphoreType.DMA,
            pltpu.SemaphoreType.DMA,
            pltpu.SemaphoreType.DMA,
        ],
    )
    def k(xs_hbm, table_hbm, out_hbm, *scratch):
        xs_v, val_v = scratch[0:2], scratch[2:4]
        sem_x, sem_g, sem_o = scratch[4:6], scratch[6:8], scratch[8:10]
        wid = lax.axis_index("s") * _NC + lax.axis_index("c")
        base0 = pl.multiple_of(wid * per_w, chunk)

        def load_xs(c, p):
            return pltpu.async_copy(
                xs_hbm.at[pl.ds((base0 + offs[c]) * 4, sizes[c] * 4)],
                xs_v[p].at[pl.ds(0, sizes[c] * 4)],
                sem_x[p],
            )

        def compute_fire(c, p):
            def blk_body(it, carry):
                t = it >> 1
                j0 = (it & 1) * 4
                for jj in range(4):
                    j = j0 + jj
                    o = t * 512 + j * _L
                    fx = xs_v[p][pl.ds(o, _L)]
                    fy = xs_v[p][pl.ds(o + 128, _L)]
                    fz = xs_v[p][pl.ds(o + 256, _L)]
                    fw = xs_v[p][pl.ds(o + 384, _L)]
                    cx = jnp.clip((fx * s0 + _MAGIC) - _MAGIC, 0.0, s0 - 1.0)
                    cy = jnp.clip((fy * s1 + _MAGIC) - _MAGIC, 0.0, s1 - 1.0)
                    cz = jnp.clip((fz * s2 + _MAGIC) - _MAGIC, 0.0, s2 - 1.0)
                    cw = jnp.clip((fw * s3 + _MAGIC) - _MAGIC, 0.0, s3 - 1.0)
                    lin = (cx * st0 + cz * st2 + cw * st3 + cy).astype(jnp.int32)
                    pltpu.async_copy(
                        table_hbm.at[lin],
                        val_v[p].at[pl.ds(t * 128 + j * _L, _L)],
                        sem_g[p],
                    )
                return carry

            lax.fori_loop(0, sizes[c] // 64, blk_body, 0)

        def drain_gathers(c, p):
            pltpu.make_async_copy(
                table_hbm.at[pl.ds(0, sizes[c])],
                val_v[p].at[pl.ds(0, sizes[c])],
                sem_g[p],
            ).wait()

        def fire_out(c, p):
            return pltpu.async_copy(
                val_v[p].at[pl.ds(0, sizes[c])],
                out_hbm.at[pl.ds(base0 + offs[c], sizes[c])],
                sem_o[p],
            )

        cp_x = [load_xs(0, 0), load_xs(1, 1)]
        cp_o = [None, None]
        for c in range(n_chunks):
            p = c & 1
            cp_x[p].wait()
            if cp_o[p] is not None:
                cp_o[p].wait()
            compute_fire(c, p)
            if c + 2 < n_chunks:
                cp_x[p] = load_xs(c + 2, p)
            if c >= 1:
                drain_gathers(c - 1, 1 - p)
                cp_o[1 - p] = fire_out(c - 1, 1 - p)
        last = (n_chunks - 1) & 1
        drain_gathers(n_chunks - 1, last)
        cp_o[last] = fire_out(n_chunks - 1, last)
        cp_o[1 - last].wait()
        cp_o[last].wait()

    return k


def kernel(xs, data):
    n = xs.shape[0]
    dims = data.shape[:4]
    xs_flat = xs.reshape(n // 128, 128, 4).transpose(0, 2, 1).reshape(-1)
    table = data.transpose(0, 2, 3, 4, 1).reshape(-1)
    out = _make_gather(n, dims)(xs_flat, table)
    return out.reshape(n, 1)

# --- scband reference (transcript-rebuilt; emitter-appended) ---
"""Pipeline reference for scband-image4-dexperimental-9749575762094 (READ-ONLY COPY).

The authoritative reference and input builder live on the scoring server;
editing this copy changes nothing except your own understanding.
"""

import jax, jax.numpy as jnp
import numpy as np

H, W, A1, A2 = 256, 256, 16, 16
N = 1048576

def setup_inputs(seed: int = 0) -> dict:
    key = jax.random.key(seed)
    k1, k2 = jax.random.split(key)
    # Simulate the .npy counts array loaded in __init__, then apply the
    # same 'max' normalization and clamping the module performs.
    raw = jax.random.uniform(k1, (H, W, A1, A2), dtype=jnp.float32) * 100.0
    scale = jnp.maximum(jnp.max(raw), 1e-6)
    data = jnp.clip(raw / scale, 0.0, 1.0)[..., None]  # [H, W, A1, A2, 1]
    xs = jax.random.uniform(k2, (N, 4), dtype=jnp.float32)
    return {"xs": xs, "data": data}

def reference(xs, data):
    # shape of the 4 spatial axes (excludes trailing channel dim)
    shape = jnp.array(data.shape[:-1], dtype=jnp.float32)
    xsn = xs * shape
    idx = jnp.round(xsn)
    x0 = jnp.clip(idx[:, 0], 0.0, shape[0] - 1.0).astype(jnp.int32)
    y0 = jnp.clip(idx[:, 1], 0.0, shape[1] - 1.0).astype(jnp.int32)
    z0 = jnp.clip(idx[:, 2], 0.0, shape[2] - 1.0).astype(jnp.int32)
    w0 = jnp.clip(idx[:, 3], 0.0, shape[3] - 1.0).astype(jnp.int32)
    return data[x0, y0, z0, w0]  # [N, 1]

if __name__ == "__main__":
    import jax
    _d = setup_inputs()
    print(jax.jit(kernel)(*tuple(_d.values())))

</pallas_src>

<mosaic_0001>
#map = affine_map<(d0, d1) -> (0)>
module attributes {stable_mosaic.version = 14 : i64} {
  func.func @k(%arg0: i32, %arg1: i32, %arg2: memref<4194304xf32, #tpu.memory_space<hbm>>, %arg3: memref<16777216xf32, #tpu.memory_space<hbm>>, %arg4: memref<1048576xf32, #tpu.memory_space<hbm>>, %arg5: memref<32768xf32, #tpu.memory_space<vmem>>, %arg6: memref<32768xf32, #tpu.memory_space<vmem>>, %arg7: memref<8192xf32, #tpu.memory_space<vmem>>, %arg8: memref<8192xf32, #tpu.memory_space<vmem>>, %arg9: memref<!tpu.dma_semaphore, #tpu.memory_space<semaphore_mem>>, %arg10: memref<!tpu.dma_semaphore, #tpu.memory_space<semaphore_mem>>, %arg11: memref<!tpu.dma_semaphore, #tpu.memory_space<semaphore_mem>>, %arg12: memref<!tpu.dma_semaphore, #tpu.memory_space<semaphore_mem>>, %arg13: memref<!tpu.dma_semaphore, #tpu.memory_space<semaphore_mem>>, %arg14: memref<!tpu.dma_semaphore, #tpu.memory_space<semaphore_mem>>) attributes {dimension_semantics = [#tpu.dimension_semantics<core_parallel>, #tpu.dimension_semantics<subcore_parallel>], iteration_bounds = array<i64: 2, 16>, scalar_prefetch = 0 : i64, scratch_operands = 10 : i64, tpu.core_type = #tpu.core_type<sc_vector_subcore>, window_params = [{transform_indices = #map}, {transform_indices = #map}, {transform_indices = #map}]} {
    %mul3A = arith.constant 2 : i32
    %mul3A_0 = arith.muli %arg1, %mul3A : i32
    %add3A = arith.addi %mul3A_0, %arg0 : i32
    %mul3A_1 = arith.constant 32768 : i32
    %mul3A_2 = arith.muli %add3A, %mul3A_1 : i32
    %multiple_of3A = tpu.assume_multiple %mul3A_2, 8192 : i32
    %add3A_3 = arith.constant 0 : i32
    %add3A_4 = arith.addi %multiple_of3A, %add3A_3 : i32
    %mul3A_5 = arith.constant 4 : i32
    %mul3A_6 = arith.muli %add3A_4, %mul3A_5 : i32
    %dma_start3A = arith.constant 0 : i32
    %dma_start3A_7 = tpu.memref_slice %arg5[%dma_start3A] : memref<32768xf32, #tpu.memory_space<vmem>> -> memref<32768xf32, #tpu.memory_space<vmem>>
    %dma_start3A_8 = tpu.memref_slice %arg2[%mul3A_6] : memref<4194304xf32, #tpu.memory_space<hbm>> -> memref<32768xf32, #tpu.memory_space<hbm>>
    %dma_start3A_9 = arith.constant 0 : i32
    %dma_start3A_10 = tpu.memref_slice %arg5[%dma_start3A_9] : memref<32768xf32, #tpu.memory_space<vmem>> -> memref<32768xf32, #tpu.memory_space<vmem>>
    %dma_start3A_11 = tpu.memref_slice %arg2[%mul3A_6] : memref<4194304xf32, #tpu.memory_space<hbm>> -> memref<32768xf32, #tpu.memory_space<hbm>>
    tpu.enqueue_dma source(%dma_start3A_11 : memref<32768xf32, #tpu.memory_space<hbm>>) target(%dma_start3A_10 : memref<32768xf32, #tpu.memory_space<vmem>>) target_semaphore(%arg9 : memref<!tpu.dma_semaphore, #tpu.memory_space<semaphore_mem>>)
    %add3A_12 = arith.constant 8192 : i32
    %add3A_13 = arith.addi %multiple_of3A, %add3A_12 : i32
    %mul3A_14 = arith.constant 4 : i32
    %mul3A_15 = arith.muli %add3A_13, %mul3A_14 : i32
    %dma_start3A_16 = arith.constant 0 : i32
    %dma_start3A_17 = tpu.memref_slice %arg6[%dma_start3A_16] : memref<32768xf32, #tpu.memory_space<vmem>> -> memref<32768xf32, #tpu.memory_space<vmem>>
    %dma_start3A_18 = tpu.memref_slice %arg2[%mul3A_15] : memref<4194304xf32, #tpu.memory_space<hbm>> -> memref<32768xf32, #tpu.memory_space<hbm>>
    %dma_start3A_19 = arith.constant 0 : i32
    %dma_start3A_20 = tpu.memref_slice %arg6[%dma_start3A_19] : memref<32768xf32, #tpu.memory_space<vmem>> -> memref<32768xf32, #tpu.memory_space<vmem>>
    %dma_start3A_21 = tpu.memref_slice %arg2[%mul3A_15] : memref<4194304xf32, #tpu.memory_space<hbm>> -> memref<32768xf32, #tpu.memory_space<hbm>>
    tpu.enqueue_dma source(%dma_start3A_21 : memref<32768xf32, #tpu.memory_space<hbm>>) target(%dma_start3A_20 : memref<32768xf32, #tpu.memory_space<vmem>>) target_semaphore(%arg10 : memref<!tpu.dma_semaphore, #tpu.memory_space<semaphore_mem>>)
    %dma_wait3A = arith.constant 0 : i32
    %dma_wait3A_22 = tpu.memref_slice %arg5[%dma_wait3A] : memref<32768xf32, #tpu.memory_space<vmem>> -> memref<32768xf32, #tpu.memory_space<vmem>>
    %dma_wait3A_23 = tpu.memref_slice %arg2[%mul3A_6] : memref<4194304xf32, #tpu.memory_space<hbm>> -> memref<32768xf32, #tpu.memory_space<hbm>>
    %dma_wait3A_24 = arith.constant 0 : i32
    %dma_wait3A_25 = tpu.memref_slice %arg5[%dma_wait3A_24] : memref<32768xf32, #tpu.memory_space<vmem>> -> memref<32768xf32, #tpu.memory_space<vmem>>
    %dma_wait3A_26 = tpu.memref_slice %arg2[%mul3A_6] : memref<4194304xf32, #tpu.memory_space<hbm>> -> memref<32768xf32, #tpu.memory_space<hbm>>
    tpu.wait_dma2 semaphore(%arg9 : memref<!tpu.dma_semaphore, #tpu.memory_space<semaphore_mem>>) src(%dma_wait3A_26 : memref<32768xf32, #tpu.memory_space<hbm>>) dst(%dma_wait3A_25 : memref<32768xf32, #tpu.memory_space<vmem>>)
    %scan3A = arith.constant 0 : i32
    %scan3A_27 = arith.constant 0 : i32
    %scan3A_28 = arith.constant 128 : i32
    %scan3A_29 = arith.addi %scan3A_27, %scan3A_28 : i32
    %scan3A_30 = arith.constant 1 : i32
    scf.for %scan3A_176 = %scan3A_27 to %scan3A_29 step %scan3A_30  : i32 {
      %shift_right_arithmetic3A = arith.constant 1 : i32
      %shift_right_arithmetic3A_177 = arith.shrsi %scan3A_176, %shift_right_arithmetic3A : i32
      %and3A = arith.constant 1 : i32
      %and3A_178 = arith.andi %scan3A_176, %and3A : i32
      %mul3A_179 = arith.constant 4 : i32
      %mul3A_180 = arith.muli %and3A_178, %mul3A_179 : i32
      %add3A_181 = arith.constant 0 : i32
      %add3A_182 = arith.addi %mul3A_180, %add3A_181 : i32
      %mul3A_183 = arith.constant 512 : i32
      %mul3A_184 = arith.muli %shift_right_arithmetic3A_177, %mul3A_183 : i32
      %mul3A_185 = arith.constant 16 : i32
      %mul3A_186 = arith.muli %add3A_182, %mul3A_185 : i32
      %add3A_187 = arith.addi %mul3A_184, %mul3A_186 : i32
      %get3A = arith.index_cast %add3A_187 : i32 to index
      %get3A_188 = tpu.vector_load %arg5[%get3A] {strides = array<i32>} : memref<32768xf32, #tpu.memory_space<vmem>>, vector<16xf32>,
      %add3A_189 = arith.constant 128 : i32
      %add3A_190 = arith.addi %add3A_187, %add3A_189 : i32
      %get3A_191 = arith.index_cast %add3A_190 : i32 to index
      %get3A_192 = tpu.vector_load %arg5[%get3A_191] {strides = array<i32>} : memref<32768xf32, #tpu.memory_space<vmem>>, vector<16xf32>,
      %add3A_193 = arith.constant 256 : i32
      %add3A_194 = arith.addi %add3A_187, %add3A_193 : i32
      %get3A_195 = arith.index_cast %add3A_194 : i32 to index
      %get3A_196 = tpu.vector_load %arg5[%get3A_195] {strides = array<i32>} : memref<32768xf32, #tpu.memory_space<vmem>>, vector<16xf32>,
      %add3A_197 = arith.constant 384 : i32
      %add3A_198 = arith.addi %add3A_187, %add3A_197 : i32
      %get3A_199 = arith.index_cast %add3A_198 : i32 to index
      %get3A_200 = tpu.vector_load %arg5[%get3A_199] {strides = array<i32>} : memref<32768xf32, #tpu.memory_space<vmem>>, vector<16xf32>,
      %mul3A_201 = arith.constant 2.560000e+02 : f32
      %mul3A_202 = vector.broadcast %mul3A_201 : f32 to vector<16xf32>
      %mul3A_203 = arith.mulf %get3A_188, %mul3A_202 : vector<16xf32>
      %add3A_204 = arith.constant 0x4B400000 : f32
      %add3A_205 = vector.broadcast %add3A_204 : f32 to vector<16xf32>
      %add3A_206 = arith.addf %mul3A_203, %add3A_205 : vector<16xf32>
      %sub3A = arith.constant 0x4B400000 : f32
      %sub3A_207 = vector.broadcast %sub3A : f32 to vector<16xf32>
      %sub3A_208 = arith.subf %add3A_206, %sub3A_207 : vector<16xf32>
      %jit3A = arith.constant 0.000000e+00 : f32
      %jit3A_209 = arith.constant 2.550000e+02 : f32
      %max3A = vector.broadcast %jit3A : f32 to vector<16xf32>
      %max3A_210 = arith.maximumf %max3A, %sub3A_208 : vector<16xf32>
      %min3A = vector.broadcast %jit3A_209 : f32 to vector<16xf32>
      %min3A_211 = arith.minimumf %min3A, %max3A_210 : vector<16xf32>
      %mul3A_212 = arith.constant 2.560000e+02 : f32
      %mul3A_213 = vector.broadcast %mul3A_212 : f32 to vector<16xf32>
      %mul3A_214 = arith.mulf %get3A_192, %mul3A_213 : vector<16xf32>
      %add3A_215 = arith.constant 0x4B400000 : f32
      %add3A_216 = vector.broadcast %add3A_215 : f32 to vector<16xf32>
      %add3A_217 = arith.addf %mul3A_214, %add3A_216 : vector<16xf32>
      %sub3A_218 = arith.constant 0x4B400000 : f32
      %sub3A_219 = vector.broadcast %sub3A_218 : f32 to vector<16xf32>
      %sub3A_220 = arith.subf %add3A_217, %sub3A_219 : vector<16xf32>
      %jit3A_221 = arith.constant 0.000000e+00 : f32
      %jit3A_222 = arith.constant 2.550000e+02 : f32
      %max3A_223 = vector.broadcast %jit3A_221 : f32 to vector<16xf32>
      %max3A_224 = arith.maximumf %max3A_223, %sub3A_220 : vector<16xf32>
      %min3A_225 = vector.broadcast %jit3A_222 : f32 to vector<16xf32>
      %min3A_226 = arith.minimumf %min3A_225, %max3A_224 : vector<16xf32>
      %mul3A_227 = arith.constant 1.600000e+01 : f32
      %mul3A_228 = vector.broadcast %mul3A_227 : f32 to vector<16xf32>
      %mul3A_229 = arith.mulf %get3A_196, %mul3A_228 : vector<16xf32>
      %add3A_230 = arith.constant 0x4B400000 : f32
      %add3A_231 = vector.broadcast %add3A_230 : f32 to vector<16xf32>
      %add3A_232 = arith.addf %mul3A_229, %add3A_231 : vector<16xf32>
      %sub3A_233 = arith.constant 0x4B400000 : f32
      %sub3A_234 = vector.broadcast %sub3A_233 : f32 to vector<16xf32>
      %sub3A_235 = arith.subf %add3A_232, %sub3A_234 : vector<16xf32>
      %jit3A_236 = arith.constant 0.000000e+00 : f32
      %jit3A_237 = arith.constant 1.500000e+01 : f32
      %max3A_238 = vector.broadcast %jit3A_236 : f32 to vector<16xf32>
      %max3A_239 = arith.maximumf %max3A_238, %sub3A_235 : vector<16xf32>
      %min3A_240 = vector.broadcast %jit3A_237 : f32 to vector<16xf32>
      %min3A_241 = arith.minimumf %min3A_240, %max3A_239 : vector<16xf32>
      %mul3A_242 = arith.constant 1.600000e+01 : f32
      %mul3A_243 = vector.broadcast %mul3A_242 : f32 to vector<16xf32>
      %mul3A_244 = arith.mulf %get3A_200, %mul3A_243 : vector<16xf32>
      %add3A_245 = arith.constant 0x4B400000 : f32
      %add3A_246 = vector.broadcast %add3A_245 : f32 to vector<16xf32>
      %add3A_247 = arith.addf %mul3A_244, %add3A_246 : vector<16xf32>
      %sub3A_248 = arith.constant 0x4B400000 : f32
      %sub3A_249 = vector.broadcast %sub3A_248 : f32 to vector<16xf32>
      %sub3A_250 = arith.subf %add3A_247, %sub3A_249 : vector<16xf32>
      %jit3A_251 = arith.constant 0.000000e+00 : f32
      %jit3A_252 = arith.constant 1.500000e+01 : f32
      %max3A_253 = vector.broadcast %jit3A_251 : f32 to vector<16xf32>
      %max3A_254 = arith.maximumf %max3A_253, %sub3A_250 : vector<16xf32>
      %min3A_255 = vector.broadcast %jit3A_252 : f32 to vector<16xf32>
      %min3A_256 = arith.minimumf %min3A_255, %max3A_254 : vector<16xf32>
      %mul3A_257 = arith.constant 6.553600e+04 : f32
      %mul3A_258 = vector.broadcast %mul3A_257 : f32 to vector<16xf32>
      %mul3A_259 = arith.mulf %min3A_211, %mul3A_258 : vector<16xf32>
      %mul3A_260 = arith.constant 4.096000e+03 : f32
      %mul3A_261 = vector.broadcast %mul3A_260 : f32 to vector<16xf32>
      %mul3A_262 = arith.mulf %min3A_241, %mul3A_261 : vector<16xf32>
      %add3A_263 = arith.addf %mul3A_259, %mul3A_262 : vector<16xf32>
      %mul3A_264 = arith.constant 2.560000e+02 : f32
      %mul3A_265 = vector.broadcast %mul3A_264 : f32 to vector<16xf32>
      %mul3A_266 = arith.mulf %min3A_256, %mul3A_265 : vector<16xf32>
      %add3A_267 = arith.addf %add3A_263, %mul3A_266 : vector<16xf32>
      %add3A_268 = arith.addf %add3A_267, %min3A_226 : vector<16xf32>
      %convert_element_type3A = arith.fptosi %add3A_268 : vector<16xf32> to vector<16xi32>
      %mul3A_269 = arith.constant 128 : i32
      %mul3A_270 = arith.muli %shift_right_arithmetic3A_177, %mul3A_269 : i32
      %mul3A_271 = arith.constant 16 : i32
      %mul3A_272 = arith.muli %add3A_182, %mul3A_271 : i32
      %add3A_273 = arith.addi %mul3A_270, %mul3A_272 : i32
      %dma_start3A_274 = tpu.memref_slice %arg7[%add3A_273] : memref<8192xf32, #tpu.memory_space<vmem>> -> memref<16xf32, #tpu.memory_space<vmem>>
      %dma_start3A_275 = arith.constant 0 : i32
      %dma_start3A_276 = tpu.memref_slice %arg3[%dma_start3A_275] : memref<16777216xf32, #tpu.memory_space<hbm>> -> memref<16777216xf32, #tpu.memory_space<hbm>>
      tpu.enqueue_indirect_dma source(%dma_start3A_276 : memref<16777216xf32, #tpu.memory_space<hbm>>) target(%dma_start3A_274 : memref<16xf32, #tpu.memory_space<vmem>>) offsets(%convert_element_type3A : vector<16xi32>) semaphore(%arg11 : memref<!tpu.dma_semaphore, #tpu.memory_space<semaphore_mem>>)
      %add3A_277 = arith.constant 1 : i32
      %add3A_278 = arith.addi %mul3A_180, %add3A_277 : i32
      %mul3A_279 = arith.constant 512 : i32
      %mul3A_280 = arith.muli %shift_right_arithmetic3A_177, %mul3A_279 : i32
      %mul3A_281 = arith.constant 16 : i32
      %mul3A_282 = arith.muli %add3A_278, %mul3A_281 : i32
      %add3A_283 = arith.addi %mul3A_280, %mul3A_282 : i32
      %get3A_284 = arith.index_cast %add3A_283 : i32 to index
      %get3A_285 = tpu.vector_load %arg5[%get3A_284] {strides = array<i32>} : memref<32768xf32, #tpu.memory_space<vmem>>, vector<16xf32>,
      %add3A_286 = arith.constant 128 : i32
      %add3A_287 = arith.addi %add3A_283, %add3A_286 : i32
      %get3A_288 = arith.index_cast %add3A_287 : i32 to index
      %get3A_289 = tpu.vector_load %arg5[%get3A_288] {strides = array<i32>} : memref<32768xf32, #tpu.memory_space<vmem>>, vector<16xf32>,
      %add3A_290 = arith.constant 256 : i32
      %add3A_291 = arith.addi %add3A_283, %add3A_290 : i32
      %get3A_292 = arith.index_cast %add3A_291 : i32 to index
      %get3A_293 = tpu.vector_load %arg5[%get3A_292] {strides = array<i32>} : memref<32768xf32, #tpu.memory_space<vmem>>, vector<16xf32>,
      %add3A_294 = arith.constant 384 : i32
      %add3A_295 = arith.addi %add3A_283, %add3A_294 : i32
      %get3A_296 = arith.index_cast %add3A_295 : i32 to index
      %get3A_297 = tpu.vector_load %arg5[%get3A_296] {strides = array<i32>} : memref<32768xf32, #tpu.memory_space<vmem>>, vector<16xf32>,
      %mul3A_298 = arith.constant 2.560000e+02 : f32
      %mul3A_299 = vector.broadcast %mul3A_298 : f32 to vector<16xf32>
      %mul3A_300 = arith.mulf %get3A_285, %mul3A_299 : vector<16xf32>
      %add3A_301 = arith.constant 0x4B400000 : f32
      %add3A_302 = vector.broadcast %add3A_301 : f32 to vector<16xf32>
      %add3A_303 = arith.addf %mul3A_300, %add3A_302 : vector<16xf32>
      %sub3A_304 = arith.constant 0x4B400000 : f32
      %sub3A_305 = vector.broadcast %sub3A_304 : f32 to vector<16xf32>
      %sub3A_306 = arith.subf %add3A_303, %sub3A_305 : vector<16xf32>
      %jit3A_307 = arith.constant 0.000000e+00 : f32
      %jit3A_308 = arith.constant 2.550000e+02 : f32
      %max3A_309 = vector.broadcast %jit3A_307 : f32 to vector<16xf32>
      %max3A_310 = arith.maximumf %max3A_309, %sub3A_306 : vector<16xf32>
      %min3A_311 = vector.broadcast %jit3A_308 : f32 to vector<16xf32>
      %min3A_312 = arith.minimumf %min3A_311, %max3A_310 : vector<16xf32>
      %mul3A_313 = arith.constant 2.560000e+02 : f32
      %mul3A_314 = vector.broadcast %mul3A_313 : f32 to vector<16xf32>
      %mul3A_315 = arith.mulf %get3A_289, %mul3A_314 : vector<16xf32>
      %add3A_316 = arith.constant 0x4B400000 : f32
      %add3A_317 = vector.broadcast %add3A_316 : f32 to vector<16xf32>
      %add3A_318 = arith.addf %mul3A_315, %add3A_317 : vector<16xf32>
      %sub3A_319 = arith.constant 0x4B400000 : f32
      %sub3A_320 = vector.broadcast %sub3A_319 : f32 to vector<16xf32>
      %sub3A_321 = arith.subf %add3A_318, %sub3A_320 : vector<16xf32>
      %jit3A_322 = arith.constant 0.000000e+00 : f32
      %jit3A_323 = arith.constant 2.550000e+02 : f32
      %max3A_324 = vector.broadcast %jit3A_322 : f32 to vector<16xf32>
      %max3A_325 = arith.maximumf %max3A_324, %sub3A_321 : vector<16xf32>
      %min3A_326 = vector.broadcast %jit3A_323 : f32 to vector<16xf32>
      %min3A_327 = arith.minimumf %min3A_326, %max3A_325 : vector<16xf32>
      %mul3A_328 = arith.constant 1.600000e+01 : f32
      %mul3A_329 = vector.broadcast %mul3A_328 : f32 to vector<16xf32>
      %mul3A_330 = arith.mulf %get3A_293, %mul3A_329 : vector<16xf32>
      %add3A_331 = arith.constant 0x4B400000 : f32
      %add3A_332 = vector.broadcast %add3A_331 : f32 to vector<16xf32>
      %add3A_333 = arith.addf %mul3A_330, %add3A_332 : vector<16xf32>
      %sub3A_334 = arith.constant 0x4B400000 : f32
      %sub3A_335 = vector.broadcast %sub3A_334 : f32 to vector<16xf32>
      %sub3A_336 = arith.subf %add3A_333, %sub3A_335 : vector<16xf32>
      %jit3A_337 = arith.constant 0.000000e+00 : f32
      %jit3A_338 = arith.constant 1.500000e+01 : f32
      %max3A_339 = vector.broadcast %jit3A_337 : f32 to vector<16xf32>
      %max3A_340 = arith.maximumf %max3A_339, %sub3A_336 : vector<16xf32>
      %min3A_341 = vector.broadcast %jit3A_338 : f32 to vector<16xf32>
      %min3A_342 = arith.minimumf %min3A_341, %max3A_340 : vector<16xf32>
      %mul3A_343 = arith.constant 1.600000e+01 : f32
      %mul3A_344 = vector.broadcast %mul3A_343 : f32 to vector<16xf32>
      %mul3A_345 = arith.mulf %get3A_297, %mul3A_344 : vector<16xf32>
      %add3A_346 = arith.constant 0x4B400000 : f32
      %add3A_347 = vector.broadcast %add3A_346 : f32 to vector<16xf32>
      %add3A_348 = arith.addf %mul3A_345, %add3A_347 : vector<16xf32>
      %sub3A_349 = arith.constant 0x4B400000 : f32
      %sub3A_350 = vector.broadcast %sub3A_349 : f32 to vector<16xf32>
      %sub3A_351 = arith.subf %add3A_348, %sub3A_350 : vector<16xf32>
      %jit3A_352 = arith.constant 0.000000e+00 : f32
      %jit3A_353 = arith.constant 1.500000e+01 : f32
      %max3A_354 = vector.broadcast %jit3A_352 : f32 to vector<16xf32>
      %max3A_355 = arith.maximumf %max3A_354, %sub3A_351 : vector<16xf32>
      %min3A_356 = vector.broadcast %jit3A_353 : f32 to vector<16xf32>
      %min3A_357 = arith.minimumf %min3A_356, %max3A_355 : vector<16xf32>
      %mul3A_358 = arith.constant 6.553600e+04 : f32
      %mul3A_359 = vector.broadcast %mul3A_358 : f32 to vector<16xf32>
      %mul3A_360 = arith.mulf %min3A_312, %mul3A_359 : vector<16xf32>
      %mul3A_361 = arith.constant 4.096000e+03 : f32
      %mul3A_362 = vector.broadcast %mul3A_361 : f32 to vector<16xf32>
      %mul3A_363 = arith.mulf %min3A_342, %mul3A_362 : vector<16xf32>
      %add3A_364 = arith.addf %mul3A_360, %mul3A_363 : vector<16xf32>
      %mul3A_365 = arith.constant 2.560000e+02 : f32
      %mul3A_366 = vector.broadcast %mul3A_365 : f32 to vector<16xf32>
      %mul3A_367 = arith.mulf %min3A_357, %mul3A_366 : vector<16xf32>
      %add3A_368 = arith.addf %add3A_364, %mul3A_367 : vector<16xf32>
      %add3A_369 = arith.addf %add3A_368, %min3A_327 : vector<16xf32>
      %convert_element_type3A_370 = arith.fptosi %add3A_369 : vector<16xf32> to vector<16xi32>
      %mul3A_371 = arith.constant 128 : i32
      %mul3A_372 = arith.muli %shift_right_arithmetic3A_177, %mul3A_371 : i32
      %mul3A_373 = arith.constant 16 : i32
      %mul3A_374 = arith.muli %add3A_278, %mul3A_373 : i32
      %add3A_375 = arith.addi %mul3A_372, %mul3A_374 : i32
      %dma_start3A_376 = tpu.memref_slice %arg7[%add3A_375] : memref<8192xf32, #tpu.memory_space<vmem>> -> memref<16xf32, #tpu.memory_space<vmem>>
      %dma_start3A_377 = arith.constant 0 : i32
      %dma_start3A_378 = tpu.memref_slice %arg3[%dma_start3A_377] : memref<16777216xf32, #tpu.memory_space<hbm>> -> memref<16777216xf32, #tpu.memory_space<hbm>>
      tpu.enqueue_indirect_dma source(%dma_start3A_378 : memref<16777216xf32, #tpu.memory_space<hbm>>) target(%dma_start3A_376 : memref<16xf32, #tpu.memory_space<vmem>>) offsets(%convert_element_type3A_370 : vector<16xi32>) semaphore(%arg11 : memref<!tpu.dma_semaphore, #tpu.memory_space<semaphore_mem>>)
      %add3A_379 = arith.constant 2 : i32
      %add3A_380 = arith.addi %mul3A_180, %add3A_379 : i32
      %mul3A_381 = arith.constant 512 : i32
      %mul3A_382 = arith.muli %shift_right_arithmetic3A_177, %mul3A_381 : i32
      %mul3A_383 = arith.constant 16 : i32
      %mul3A_384 = arith.muli %add3A_380, %mul3A_383 : i32
      %add3A_385 = arith.addi %mul3A_382, %mul3A_384 : i32
      %get3A_386 = arith.index_cast %add3A_385 : i32 to index
      %get3A_387 = tpu.vector_load %arg5[%get3A_386] {strides = array<i32>} : memref<32768xf32, #tpu.memory_space<vmem>>, vector<16xf32>,
      %add3A_388 = arith.constant 128 : i32
      %add3A_389 = arith.addi %add3A_385, %add3A_388 : i32
      %get3A_390 = arith.index_cast %add3A_389 : i32 to index
      %get3A_391 = tpu.vector_load %arg5[%get3A_390] {strides = array<i32>} : memref<32768xf32, #tpu.memory_space<vmem>>, vector<16xf32>,
      %add3A_392 = arith.constant 256 : i32
      %add3A_393 = arith.addi %add3A_385, %add3A_392 : i32
      %get3A_394 = arith.index_cast %add3A_393 : i32 to index
      %get3A_395 = tpu.vector_load %arg5[%get3A_394] {strides = array<i32>} : memref<32768xf32, #tpu.memory_space<vmem>>, vector<16xf32>,
      %add3A_396 = arith.constant 384 : i32
      %add3A_397 = arith.addi %add3A_385, %add3A_396 : i32
      %get3A_398 = arith.index_cast %add3A_397 : i32 to index
      %get3A_399 = tpu.vector_load %arg5[%get3A_398] {strides = array<i32>} : memref<32768xf32, #tpu.memory_space<vmem>>, vector<16xf32>,
      %mul3A_400 = arith.constant 2.560000e+02 : f32
      %mul3A_401 = vector.broadcast %mul3A_400 : f32 to vector<16xf32>
      %mul3A_402 = arith.mulf %get3A_387, %mul3A_401 : vector<16xf32>
      %add3A_403 = arith.constant 0x4B400000 : f32
      %add3A_404 = vector.broadcast %add3A_403 : f32 to vector<16xf32>
      %add3A_405 = arith.addf %mul3A_402, %add3A_404 : vector<16xf32>
      %sub3A_406 = arith.constant 0x4B400000 : f32
      %sub3A_407 = vector.broadcast %sub3A_406 : f32 to vector<16xf32>
      %sub3A_408 = arith.subf %add3A_405, %sub3A_407 : vector<16xf32>
      %jit3A_409 = arith.constant 0.000000e+00 : f32
      %jit3A_410 = arith.constant 2.550000e+02 : f32
      %max3A_411 = vector.broadcast %jit3A_409 : f32 to vector<16xf32>
      %max3A_412 = arith.maximumf %max3A_411, %sub3A_408 : vector<16xf32>
      %min3A_413 = vector.broadcast %jit3A_410 : f32 to vector<16xf32>
      %min3A_414 = arith.minimumf %min3A_413, %max3A_412 : vector<16xf32>
      %mul3A_415 = arith.constant 2.560000e+02 : f32
      %mul3A_416 = vector.broadcast %mul3A_415 : f32 to vector<16xf32>
      %mul3A_417 = arith.mulf %get3A_391, %mul3A_416 : vector<16xf32>
      %add3A_418 = arith.constant 0x4B400000 : f32
      %add3A_419 = vector.broadcast %add3A_418 : f32 to vector<16xf32>
      %add3A_420 = arith.addf %mul3A_417, %add3A_419 : vector<16xf32>
      %sub3A_421 = arith.constant 0x4B400000 : f32
      %sub3A_422 = vector.broadcast %sub3A_421 : f32 to vector<16xf32>
      %sub3A_423 = arith.subf %add3A_420, %sub3A_422 : vector<16xf32>
      %jit3A_424 = arith.constant 0.000000e+00 : f32
      %jit3A_425 = arith.constant 2.550000e+02 : f32
      %max3A_426 = vector.broadcast %jit3A_424 : f32 to vector<16xf32>
      %max3A_427 = arith.maximumf %max3A_426, %sub3A_423 : vector<16xf32>
      %min3A_428 = vector.broadcast %jit3A_425 : f32 to vector<16xf32>
      %min3A_429 = arith.minimumf %min3A_428, %max3A_427 : vector<16xf32>
      %mul3A_430 = arith.constant 1.600000e+01 : f32
      %mul3A_431 = vector.broadcast %mul3A_430 : f32 to vector<16xf32>
      %mul3A_432 = arith.mulf %get3A_395, %mul3A_431 : vector<16xf32>
      %add3A_433 = arith.constant 0x4B400000 : f32
      %add3A_434 = vector.broadcast %add3A_433 : f32 to vector<16xf32>
      %add3A_435 = arith.addf %mul3A_432, %add3A_434 : vector<16xf32>
      %sub3A_436 = arith.constant 0x4B400000 : f32
      %sub3A_437 = vector.broadcast %sub3A_436 : f32 to vector<16xf32>
      %sub3A_438 = arith.subf %add3A_435, %sub3A_437 : vector<16xf32>
      %jit3A_439 = arith.constant 0.000000e+00 : f32
      %jit3A_440 = arith.constant 1.500000e+01 : f32
      %max3A_441 = vector.broadcast %jit3A_439 : f32 to vector<16xf32>
      %max3A_442 = arith.maximumf %max3A_441, %sub3A_438 : vector<16xf32>
      %min3A_443 = vector.broadcast %jit3A_440 : f32 to vector<16xf32>
      %min3A_444 = arith.minimumf %min3A_443, %max3A_442 : vector<16xf32>
      %mul3A_445 = arith.constant 1.600000e+01 : f32
      %mul3A_446 = vector.broadcast %mul3A_445 : f32 to vector<16xf32>
      %mul3A_447 = arith.mulf %get3A_399, %mul3A_446 : vector<16xf32>
      %add3A_448 = arith.constant 0x4B400000 : f32
      %add3A_449 = vector.broadcast %add3A_448 : f32 to vector<16xf32>
      %add3A_450 = arith.addf %mul3A_447, %add3A_449 : vector<16xf32>
      %sub3A_451 = arith.constant 0x4B400000 : f32
      %sub3A_452 = vector.broadcast %sub3A_451 : f32 to vector<16xf32>
      %sub3A_453 = arith.subf %add3A_450, %sub3A_452 : vector<16xf32>
      %jit3A_454 = arith.constant 0.000000e+00 : f32
      %jit3A_455 = arith.constant 1.500000e+01 : f32
      %max3A_456 = vector.broadcast %jit3A_454 : f32 to vector<16xf32>
      %max3A_457 = arith.maximumf %max3A_456, %sub3A_453 : vector<16xf32>
      %min3A_458 = vector.broadcast %jit3A_455 : f32 to vector<16xf32>
      %min3A_459 = arith.minimumf %min3A_458, %max3A_457 : vector<16xf32>
      %mul3A_460 = arith.constant 6.553600e+04 : f32
      %mul3A_461 = vector.broadcast %mul3A_460 : f32 to vector<16xf32>
      %mul3A_462 = arith.mulf %min3A_414, %mul3A_461 : vector<16xf32>
      %mul3A_463 = arith.constant 4.096000e+03 : f32
      %mul3A_464 = vector.broadcast %mul3A_463 : f32 to vector<16xf32>
      %mul3A_465 = arith.mulf %min3A_444, %mul3A_464 : vector<16xf32>
      %add3A_466 = arith.addf %mul3A_462, %mul3A_465 : vector<16xf32>
      %mul3A_467 = arith.constant 2.560000e+02 : f32
      %mul3A_468 = vector.broadcast %mul3A_467 : f32 to vector<16xf32>
      %mul3A_469 = arith.mulf %min3A_459, %mul3A_468 : vector<16xf32>
      %add3A_470 = arith.addf %add3A_466, %mul3A_469 : vector<16xf32>
      %add3A_471 = arith.addf %add3A_470, %min3A_429 : vector<16xf32>
      %convert_element_type3A_472 = arith.fptosi %add3A_471 : vector<16xf32> to vector<16xi32>
      %mul3A_473 = arith.constant 128 : i32
      %mul3A_474 = arith.muli %shift_right_arithmetic3A_177, %mul3A_473 : i32
      %mul3A_475 = arith.constant 16 : i32
      %mul3A_476 = arith.muli %add3A_380, %mul3A_475 : i32
      %add3A_477 = arith.addi %mul3A_474, %mul3A_476 : i32
      %dma_start3A_478 = tpu.memref_slice %arg7[%add3A_477] : memref<8192xf32, #tpu.memory_space<vmem>> -> memref<16xf32, #tpu.memory_space<vmem>>
      %dma_start3A_479 = arith.constant 0 : i32
      %dma_start3A_480 = tpu.memref_slice %arg3[%dma_start3A_479] : memref<16777216xf32, #tpu.memory_space<hbm>> -> memref<16777216xf32, #tpu.memory_space<hbm>>
      tpu.enqueue_indirect_dma source(%dma_start3A_480 : memref<16777216xf32, #tpu.memory_space<hbm>>) target(%dma_start3A_478 : memref<16xf32, #tpu.memory_space<vmem>>) offsets(%convert_element_type3A_472 : vector<16xi32>) semaphore(%arg11 : memref<!tpu.dma_semaphore, #tpu.memory_space<semaphore_mem>>)
      %add3A_481 = arith.constant 3 : i32
      %add3A_482 = arith.addi %mul3A_180, %add3A_481 : i32
      %mul3A_483 = arith.constant 512 : i32
      %mul3A_484 = arith.muli %shift_right_arithmetic3A_177, %mul3A_483 : i32
      %mul3A_485 = arith.constant 16 : i32
      %mul3A_486 = arith.muli %add3A_482, %mul3A_485 : i32
      %add3A_487 = arith.addi %mul3A_484, %mul3A_486 : i32
      %get3A_488 = arith.index_cast %add3A_487 : i32 to index
      %get3A_489 = tpu.vector_load %arg5[%get3A_488] {strides = array<i32>} : memref<32768xf32, #tpu.memory_space<vmem>>, vector<16xf32>,
      %add3A_490 = arith.constant 128 : i32
      %add3A_491 = arith.addi %add3A_487, %add3A_490 : i32
      %get3A_492 = arith.index_cast %add3A_491 : i32 to index
      %get3A_493 = tpu.vector_load %arg5[%get3A_492] {strides = array<i32>} : memref<32768xf32, #tpu.memory_space<vmem>>, vector<16xf32>,
      %add3A_494 = arith.constant 256 : i32
      %add3A_495 = arith.addi %add3A_487, %add3A_494 : i32
      %get3A_496 = arith.index_cast %add3A_495 : i32 to index
      %get3A_497 = tpu.vector_load %arg5[%get3A_496] {strides = array<i32>} : memref<32768xf32, #tpu.memory_space<vmem>>, vector<16xf32>,
      %add3A_498 = arith.constant 384 : i32
      %add3A_499 = arith.addi %add3A_487, %add3A_498 : i32
      %get3A_500 = arith.index_cast %add3A_499 : i32 to index
      %get3A_501 = tpu.vector_load %arg5[%get3A_500] {strides = array<i32>} : memref<32768xf32, #tpu.memory_space<vmem>>, vector<16xf32>,
      %mul3A_502 = arith.constant 2.560000e+02 : f32
      %mul3A_503 = vector.broadcast %mul3A_502 : f32 to vector<16xf32>
      %mul3A_504 = arith.mulf %get3A_489, %mul3A_503 : vector<16xf32>
      %add3A_505 = arith.constant 0x4B400000 : f32
      %add3A_506 = vector.broadcast %add3A_505 : f32 to vector<16xf32>
      %add3A_507 = arith.addf %mul3A_504, %add3A_506 : vector<16xf32>
      %sub3A_508 = arith.constant 0x4B400000 : f32
      %sub3A_509 = vector.broadcast %sub3A_508 : f32 to vector<16xf32>
      %sub3A_510 = arith.subf %add3A_507, %sub3A_509 : vector<16xf32>
      %jit3A_511 = arith.constant 0.000000e+00 : f32
      %jit3A_512 = arith.constant 2.550000e+02 : f32
      %max3A_513 = vector.broadcast %jit3A_511 : f32 to vector<16xf32>
      %max3A_514 = arith.maximumf %max3A_513, %sub3A_510 : vector<16xf32>
      %min3A_515 = vector.broadcast %jit3A_512 : f32 to vector<16xf32>
      %min3A_516 = arith.minimumf %min3A_515, %max3A_514 : vector<16xf32>
      %mul3A_517 = arith.constant 2.560000e+02 : f32
      %mul3A_518 = vector.broadcast %mul3A_517 : f32 to vector<16xf32>
      %mul3A_519 = arith.mulf %get3A_493, %mul3A_518 : vector<16xf32>
      %add3A_520 = arith.constant 0x4B400000 : f32
      %add3A_521 = vector.broadcast %add3A_520 : f32 to vector<16xf32>
      %add3A_522 = arith.addf %mul3A_519, %add3A_521 : vector<16xf32>
      %sub3A_523 = arith.constant 0x4B400000 : f32
      %sub3A_524 = vector.broadcast %sub3A_523 : f32 to vector<16xf32>
      %sub3A_525 = arith.subf %add3A_522, %sub3A_524 : vector<16xf32>
      %jit3A_526 = arith.constant 0.000000e+00 : f32
      %jit3A_527 = arith.constant 2.550000e+02 : f32
      %max3A_528 = vector.broadcast %jit3A_526 : f32 to vector<16xf32>
      %max3A_529 = arith.maximumf %max3A_528, %sub3A_525 : vector<16xf32>
      %min3A_530 = vector.broadcast %jit3A_527 : f32 to vector<16xf32>
      %min3A_531 = arith.minimumf %min3A_530, %max3A_529 : vector<16xf32>
      %mul3A_532 = arith.constant 1.600000e+01 : f32
      %mul3A_533 = vector.broadcast %mul3A_532 : f32 to vector<16xf32>
      %mul3A_534 = arith.mulf %get3A_497, %mul3A_533 : vector<16xf32>
      %add3A_535 = arith.constant 0x4B400000 : f32
      %add3A_536 = vector.broadcast %add3A_535 : f32 to vector<16xf32>
      %add3A_537 = arith.addf %mul3A_534, %add3A_536 : vector<16xf32>
      %sub3A_538 = arith.constant 0x4B400000 : f32
      %sub3A_539 = vector.broadcast %sub3A_538 : f32 to vector<16xf32>
      %sub3A_540 = arith.subf %add3A_537, %sub3A_539 : vector<16xf32>
      %jit3A_541 = arith.constant 0.000000e+00 : f32
      %jit3A_542 = arith.constant 1.500000e+01 : f32
      %max3A_543 = vector.broadcast %jit3A_541 : f32 to vector<16xf32>
      %max3A_544 = arith.maximumf %max3A_543, %sub3A_540 : vector<16xf32>
      %min3A_545 = vector.broadcast %jit3A_542 : f32 to vector<16xf32>
      %min3A_546 = arith.minimumf %min3A_545, %max3A_544 : vector<16xf32>
      %mul3A_547 = arith.constant 1.600000e+01 : f32
      %mul3A_548 = vector.broadcast %mul3A_547 : f32 to vector<16xf32>
      %mul3A_549 = arith.mulf %get3A_501, %mul3A_548 : vector<16xf32>
      %add3A_550 = arith.constant 0x4B400000 : f32
      %add3A_551 = vector.broadcast %add3A_550 : f32 to vector<16xf32>
      %add3A_552 = arith.addf %mul3A_549, %add3A_551 : vector<16xf32>
      %sub3A_553 = arith.constant 0x4B400000 : f32
      %sub3A_554 = vector.broadcast %sub3A_553 : f32 to vector<16xf32>
      %sub3A_555 = arith.subf %add3A_552, %sub3A_554 : vector<16xf32>
      %jit3A_556 = arith.constant 0.000000e+00 : f32
      %jit3A_557 = arith.constant 1.500000e+01 : f32
      %max3A_558 = vector.broadcast %jit3A_556 : f32 to vector<16xf32>
      %max3A_559 = arith.maximumf %max3A_558, %sub3A_555 : vector<16xf32>
      %min3A_560 = vector.broadcast %jit3A_557 : f32 to vector<16xf32>
      %min3A_561 = arith.minimumf %min3A_560, %max3A_559 : vector<16xf32>
      %mul3A_562 = arith.constant 6.553600e+04 : f32
      %mul3A_563 = vector.broadcast %mul3A_562 : f32 to vector<16xf32>
      %mul3A_564 = arith.mulf %min3A_516, %mul3A_563 : vector<16xf32>
      %mul3A_565 = arith.constant 4.096000e+03 : f32
      %mul3A_566 = vector.broadcast %mul3A_565 : f32 to vector<16xf32>
      %mul3A_567 = arith.mulf %min3A_546, %mul3A_566 : vector<16xf32>
      %add3A_568 = arith.addf %mul3A_564, %mul3A_567 : vector<16xf32>
      %mul3A_569 = arith.constant 2.560000e+02 : f32
      %mul3A_570 = vector.broadcast %mul3A_569 : f32 to vector<16xf32>
      %mul3A_571 = arith.mulf %min3A_561, %mul3A_570 : vector<16xf32>
      %add3A_572 = arith.addf %add3A_568, %mul3A_571 : vector<16xf32>
      %add3A_573 = arith.addf %add3A_572, %min3A_531 : vector<16xf32>
      %convert_element_type3A_574 = arith.fptosi %add3A_573 : vector<16xf32> to vector<16xi32>
      %mul3A_575 = arith.constant 128 : i32
      %mul3A_576 = arith.muli %shift_right_arithmetic3A_177, %mul3A_575 : i32
      %mul3A_577 = arith.constant 16 : i32
      %mul3A_578 = arith.muli %add3A_482, %mul3A_577 : i32
      %add3A_579 = arith.addi %mul3A_576, %mul3A_578 : i32
      %dma_start3A_580 = tpu.memref_slice %arg7[%add3A_579] : memref<8192xf32, #tpu.memory_space<vmem>> -> memref<16xf32, #tpu.memory_space<vmem>>
      %dma_start3A_581 = arith.constant 0 : i32
      %dma_start3A_582 = tpu.memref_slice %arg3[%dma_start3A_581] : memref<16777216xf32, #tpu.memory_space<hbm>> -> memref<16777216xf32, #tpu.memory_space<hbm>>
      tpu.enqueue_indirect_dma source(%dma_start3A_582 : memref<16777216xf32, #tpu.memory_space<hbm>>) target(%dma_start3A_580 : memref<16xf32, #tpu.memory_space<vmem>>) offsets(%convert_element_type3A_574 : vector<16xi32>) semaphore(%arg11 : memref<!tpu.dma_semaphore, #tpu.memory_space<semaphore_mem>>)
    }
    %scan3A_31 = arith.constant 128 : i32
    %add3A_32 = arith.constant 16384 : i32
    %add3A_33 = arith.addi %multiple_of3A, %add3A_32 : i32
    %mul3A_34 = arith.constant 4 : i32
    %mul3A_35 = arith.muli %add3A_33, %mul3A_34 : i32
    %dma_start3A_36 = arith.constant 0 : i32
    %dma_start3A_37 = tpu.memref_slice %arg5[%dma_start3A_36] : memref<32768xf32, #tpu.memory_space<vmem>> -> memref<32768xf32, #tpu.memory_space<vmem>>
    %dma_start3A_38 = tpu.memref_slice %arg2[%mul3A_35] : memref<4194304xf32, #tpu.memory_space<hbm>> -> memref<32768xf32, #tpu.memory_space<hbm>>
    %dma_start3A_39 = arith.constant 0 : i32
    %dma_start3A_40 = tpu.memref_slice %arg5[%dma_start3A_39] : memref<32768xf32, #tpu.memory_space<vmem>> -> memref<32768xf32, #tpu.memory_space<vmem>>
    %dma_start3A_41 = tpu.memref_slice %arg2[%mul3A_35] : memref<4194304xf32, #tpu.memory_space<hbm>> -> memref<32768xf32, #tpu.memory_space<hbm>>
    tpu.enqueue_dma source(%dma_start3A_41 : memref<32768xf32, #tpu.memory_space<hbm>>) target(%dma_start3A_40 : memref<32768xf32, #tpu.memory_space<vmem>>) target_semaphore(%arg9 : memref<!tpu.dma_semaphore, #tpu.memory_space<semaphore_mem>>)
    %dma_wait3A_42 = arith.constant 0 : i32
    %dma_wait3A_43 = tpu.memref_slice %arg6[%dma_wait3A_42] : memref<32768xf32, #tpu.memory_space<vmem>> -> memref<32768xf32, #tpu.memory_space<vmem>>
    %dma_wait3A_44 = tpu.memref_slice %arg2[%mul3A_15] : memref<4194304xf32, #tpu.memory_space<hbm>> -> memref<32768xf32, #tpu.memory_space<hbm>>
    %dma_wait3A_45 = arith.constant 0 : i32
    %dma_wait3A_46 = tpu.memref_slice %arg6[%dma_wait3A_45] : memref<32768xf32, #tpu.memory_space<vmem>> -> memref<32768xf32, #tpu.memory_space<vmem>>
    %dma_wait3A_47 = tpu.memref_slice %arg2[%mul3A_15] : memref<4194304xf32, #tpu.memory_space<hbm>> -> memref<32768xf32, #tpu.memory_space<hbm>>
    tpu.wait_dma2 semaphore(%arg10 : memref<!tpu.dma_semaphore, #tpu.memory_space<semaphore_mem>>) src(%dma_wait3A_47 : memref<32768xf32, #tpu.memory_space<hbm>>) dst(%dma_wait3A_46 : memref<32768xf32, #tpu.memory_space<vmem>>)
    %scan3A_48 = arith.constant 0 : i32
    %scan3A_49 = arith.constant 0 : i32
    %scan3A_50 = arith.constant 128 : i32
    %scan3A_51 = arith.addi %scan3A_49, %scan3A_50 : i32
    %scan3A_52 = arith.constant 1 : i32
    scf.for %scan3A_176 = %scan3A_49 to %scan3A_51 step %scan3A_52  : i32 {
      %shift_right_arithmetic3A = arith.constant 1 : i32
      %shift_right_arithmetic3A_177 = arith.shrsi %scan3A_176, %shift_right_arithmetic3A : i32
      %and3A = arith.constant 1 : i32
      %and3A_178 = arith.andi %scan3A_176, %and3A : i32
      %mul3A_179 = arith.constant 4 : i32
      %mul3A_180 = arith.muli %and3A_178, %mul3A_179 : i32
      %add3A_181 = arith.constant 0 : i32
      %add3A_182 = arith.addi %mul3A_180, %add3A_181 : i32
      %mul3A_183 = arith.constant 512 : i32
      %mul3A_184 = arith.muli %shift_right_arithmetic3A_177, %mul3A_183 : i32
      %mul3A_185 = arith.constant 16 : i32
      %mul3A_186 = arith.muli %add3A_182, %mul3A_185 : i32
      %add3A_187 = arith.addi %mul3A_184, %mul3A_186 : i32
      %get3A = arith.index_cast %add3A_187 : i32 to index
      %get3A_188 = tpu.vector_load %arg6[%get3A] {strides = array<i32>} : memref<32768xf32, #tpu.memory_space<vmem>>, vector<16xf32>,
      %add3A_189 = arith.constant 128 : i32
      %add3A_190 = arith.addi %add3A_187, %add3A_189 : i32
      %get3A_191 = arith.index_cast %add3A_190 : i32 to index
      %get3A_192 = tpu.vector_load %arg6[%get3A_191] {strides = array<i32>} : memref<32768xf32, #tpu.memory_space<vmem>>, vector<16xf32>,
      %add3A_193 = arith.constant 256 : i32
      %add3A_194 = arith.addi %add3A_187, %add3A_193 : i32
      %get3A_195 = arith.index_cast %add3A_194 : i32 to index
      %get3A_196 = tpu.vector_load %arg6[%get3A_195] {strides = array<i32>} : memref<32768xf32, #tpu.memory_space<vmem>>, vector<16xf32>,
      %add3A_197 = arith.constant 384 : i32
      %add3A_198 = arith.addi %add3A_187, %add3A_197 : i32
      %get3A_199 = arith.index_cast %add3A_198 : i32 to index
      %get3A_200 = tpu.vector_load %arg6[%get3A_199] {strides = array<i32>} : memref<32768xf32, #tpu.memory_space<vmem>>, vector<16xf32>,
      %mul3A_201 = arith.constant 2.560000e+02 : f32
      %mul3A_202 = vector.broadcast %mul3A_201 : f32 to vector<16xf32>
      %mul3A_203 = arith.mulf %get3A_188, %mul3A_202 : vector<16xf32>
      %add3A_204 = arith.constant 0x4B400000 : f32
      %add3A_205 = vector.broadcast %add3A_204 : f32 to vector<16xf32>
      %add3A_206 = arith.addf %mul3A_203, %add3A_205 : vector<16xf32>
      %sub3A = arith.constant 0x4B400000 : f32
      %sub3A_207 = vector.broadcast %sub3A : f32 to vector<16xf32>
      %sub3A_208 = arith.subf %add3A_206, %sub3A_207 : vector<16xf32>
      %jit3A = arith.constant 0.000000e+00 : f32
      %jit3A_209 = arith.constant 2.550000e+02 : f32
      %max3A = vector.broadcast %jit3A : f32 to vector<16xf32>
      %max3A_210 = arith.maximumf %max3A, %sub3A_208 : vector<16xf32>
      %min3A = vector.broadcast %jit3A_209 : f32 to vector<16xf32>
      %min3A_211 = arith.minimumf %min3A, %max3A_210 : vector<16xf32>
      %mul3A_212 = arith.constant 2.560000e+02 : f32
      %mul3A_213 = vector.broadcast %mul3A_212 : f32 to vector<16xf32>
      %mul3A_214 = arith.mulf %get3A_192, %mul3A_213 : vector<16xf32>
      %add3A_215 = arith.constant 0x4B400000 : f32
      %add3A_216 = vector.broadcast %add3A_215 : f32 to vector<16xf32>
      %add3A_217 = arith.addf %mul3A_214, %add3A_216 : vector<16xf32>
      %sub3A_218 = arith.constant 0x4B400000 : f32
      %sub3A_219 = vector.broadcast %sub3A_218 : f32 to vector<16xf32>
      %sub3A_220 = arith.subf %add3A_217, %sub3A_219 : vector<16xf32>
      %jit3A_221 = arith.constant 0.000000e+00 : f32
      %jit3A_222 = arith.constant 2.550000e+02 : f32
      %max3A_223 = vector.broadcast %jit3A_221 : f32 to vector<16xf32>
      %max3A_224 = arith.maximumf %max3A_223, %sub3A_220 : vector<16xf32>
      %min3A_225 = vector.broadcast %jit3A_222 : f32 to vector<16xf32>
      %min3A_226 = arith.minimumf %min3A_225, %max3A_224 : vector<16xf32>
      %mul3A_227 = arith.constant 1.600000e+01 : f32
      %mul3A_228 = vector.broadcast %mul3A_227 : f32 to vector<16xf32>
      %mul3A_229 = arith.mulf %get3A_196, %mul3A_228 : vector<16xf32>
      %add3A_230 = arith.constant 0x4B400000 : f32
      %add3A_231 = vector.broadcast %add3A_230 : f32 to vector<16xf32>
      %add3A_232 = arith.addf %mul3A_229, %add3A_231 : vector<16xf32>
      %sub3A_233 = arith.constant 0x4B400000 : f32
      %sub3A_234 = vector.broadcast %sub3A_233 : f32 to vector<16xf32>
      %sub3A_235 = arith.subf %add3A_232, %sub3A_234 : vector<16xf32>
      %jit3A_236 = arith.constant 0.000000e+00 : f32
      %jit3A_237 = arith.constant 1.500000e+01 : f32
      %max3A_238 = vector.broadcast %jit3A_236 : f32 to vector<16xf32>
      %max3A_239 = arith.maximumf %max3A_238, %sub3A_235 : vector<16xf32>
      %min3A_240 = vector.broadcast %jit3A_237 : f32 to vector<16xf32>
      %min3A_241 = arith.minimumf %min3A_240, %max3A_239 : vector<16xf32>
      %mul3A_242 = arith.constant 1.600000e+01 : f32
      %mul3A_243 = vector.broadcast %mul3A_242 : f32 to vector<16xf32>
      %mul3A_244 = arith.mulf %get3A_200, %mul3A_243 : vector<16xf32>
      %add3A_245 = arith.constant 0x4B400000 : f32
      %add3A_246 = vector.broadcast %add3A_245 : f32 to vector<16xf32>
      %add3A_247 = arith.addf %mul3A_244, %add3A_246 : vector<16xf32>
      %sub3A_248 = arith.constant 0x4B400000 : f32
      %sub3A_249 = vector.broadcast %sub3A_248 : f32 to vector<16xf32>
      %sub3A_250 = arith.subf %add3A_247, %sub3A_249 : vector<16xf32>
      %jit3A_251 = arith.constant 0.000000e+00 : f32
      %jit3A_252 = arith.constant 1.500000e+01 : f32
      %max3A_253 = vector.broadcast %jit3A_251 : f32 to vector<16xf32>
      %max3A_254 = arith.maximumf %max3A_253, %sub3A_250 : vector<16xf32>
      %min3A_255 = vector.broadcast %jit3A_252 : f32 to vector<16xf32>
      %min3A_256 = arith.minimumf %min3A_255, %max3A_254 : vector<16xf32>
      %mul3A_257 = arith.constant 6.553600e+04 : f32
      %mul3A_258 = vector.broadcast %mul3A_257 : f32 to vector<16xf32>
      %mul3A_259 = arith.mulf %min3A_211, %mul3A_258 : vector<16xf32>
      %mul3A_260 = arith.constant 4.096000e+03 : f32
      %mul3A_261 = vector.broadcast %mul3A_260 : f32 to vector<16xf32>
      %mul3A_262 = arith.mulf %min3A_241, %mul3A_261 : vector<16xf32>
      %add3A_263 = arith.addf %mul3A_259, %mul3A_262 : vector<16xf32>
      %mul3A_264 = arith.constant 2.560000e+02 : f32
      %mul3A_265 = vector.broadcast %mul3A_264 : f32 to vector<16xf32>
      %mul3A_266 = arith.mulf %min3A_256, %mul3A_265 : vector<16xf32>
      %add3A_267 = arith.addf %add3A_263, %mul3A_266 : vector<16xf32>
      %add3A_268 = arith.addf %add3A_267, %min3A_226 : vector<16xf32>
      %convert_element_type3A = arith.fptosi %add3A_268 : vector<16xf32> to vector<16xi32>
      %mul3A_269 = arith.constant 128 : i32
      %mul3A_270 = arith.muli %shift_right_arithmetic3A_177, %mul3A_269 : i32
      %mul3A_271 = arith.constant 16 : i32
      %mul3A_272 = arith.muli %add3A_182, %mul3A_271 : i32
      %add3A_273 = arith.addi %mul3A_270, %mul3A_272 : i32
      %dma_start3A_274 = tpu.memref_slice %arg8[%add3A_273] : memref<8192xf32, #tpu.memory_space<vmem>> -> memref<16xf32, #tpu.memory_space<vmem>>
      %dma_start3A_275 = arith.constant 0 : i32
      %dma_start3A_276 = tpu.memref_slice %arg3[%dma_start3A_275] : memref<16777216xf32, #tpu.memory_space<hbm>> -> memref<16777216xf32, #tpu.memory_space<hbm>>
      tpu.enqueue_indirect_dma source(%dma_start3A_276 : memref<16777216xf32, #tpu.memory_space<hbm>>) target(%dma_start3A_274 : memref<16xf32, #tpu.memory_space<vmem>>) offsets(%convert_element_type3A : vector<16xi32>) semaphore(%arg12 : memref<!tpu.dma_semaphore, #tpu.memory_space<semaphore_mem>>)
      %add3A_277 = arith.constant 1 : i32
      %add3A_278 = arith.addi %mul3A_180, %add3A_277 : i32
      %mul3A_279 = arith.constant 512 : i32
      %mul3A_280 = arith.muli %shift_right_arithmetic3A_177, %mul3A_279 : i32
      %mul3A_281 = arith.constant 16 : i32
      %mul3A_282 = arith.muli %add3A_278, %mul3A_281 : i32
      %add3A_283 = arith.addi %mul3A_280, %mul3A_282 : i32
      %get3A_284 = arith.index_cast %add3A_283 : i32 to index
      %get3A_285 = tpu.vector_load %arg6[%get3A_284] {strides = array<i32>} : memref<32768xf32, #tpu.memory_space<vmem>>, vector<16xf32>,
      %add3A_286 = arith.constant 128 : i32
      %add3A_287 = arith.addi %add3A_283, %add3A_286 : i32
      %get3A_288 = arith.index_cast %add3A_287 : i32 to index
      %get3A_289 = tpu.vector_load %arg6[%get3A_288] {strides = array<i32>} : memref<32768xf32, #tpu.memory_space<vmem>>, vector<16xf32>,
      %add3A_290 = arith.constant 256 : i32
      %add3A_291 = arith.addi %add3A_283, %add3A_290 : i32
      %get3A_292 = arith.index_cast %add3A_291 : i32 to index
      %get3A_293 = tpu.vector_load %arg6[%get3A_292] {strides = array<i32>} : memref<32768xf32, #tpu.memory_space<vmem>>, vector<16xf32>,
      %add3A_294 = arith.constant 384 : i32
      %add3A_295 = arith.addi %add3A_283, %add3A_294 : i32
      %get3A_296 = arith.index_cast %add3A_295 : i32 to index
      %get3A_297 = tpu.vector_load %arg6[%get3A_296] {strides = array<i32>} : memref<32768xf32, #tpu.memory_space<vmem>>, vector<16xf32>,
      %mul3A_298 = arith.constant 2.560000e+02 : f32
      %mul3A_299 = vector.broadcast %mul3A_298 : f32 to vector<16xf32>
      %mul3A_300 = arith.mulf %get3A_285, %mul3A_299 : vector<16xf32>
      %add3A_301 = arith.constant 0x4B400000 : f32
      %add3A_302 = vector.broadcast %add3A_301 : f32 to vector<16xf32>
      %add3A_303 = arith.addf %mul3A_300, %add3A_302 : vector<16xf32>
      %sub3A_304 = arith.constant 0x4B400000 : f32
      %sub3A_305 = vector.broadcast %sub3A_304 : f32 to vector<16xf32>
      %sub3A_306 = arith.subf %add3A_303, %sub3A_305 : vector<16xf32>
      %jit3A_307 = arith.constant 0.000000e+00 : f32
      %jit3A_308 = arith.constant 2.550000e+02 : f32
      %max3A_309 = vector.broadcast %jit3A_307 : f32 to vector<16xf32>
      %max3A_310 = arith.maximumf %max3A_309, %sub3A_306 : vector<16xf32>
      %min3A_311 = vector.broadcast %jit3A_308 : f32 to vector<16xf32>
      %min3A_312 = arith.minimumf %min3A_311, %max3A_310 : vector<16xf32>
      %mul3A_313 = arith.constant 2.560000e+02 : f32
      %mul3A_314 = vector.broadcast %mul3A_313 : f32 to vector<16xf32>
      %mul3A_315 = arith.mulf %get3A_289, %mul3A_314 : vector<16xf32>
      %add3A_316 = arith.constant 0x4B400000 : f32
      %add3A_317 = vector.broadcast %add3A_316 : f32 to vector<16xf32>
      %add3A_318 = arith.addf %mul3A_315, %add3A_317 : vector<16xf32>
      %sub3A_319 = arith.constant 0x4B400000 : f32
      %sub3A_320 = vector.broadcast %sub3A_319 : f32 to vector<16xf32>
      %sub3A_321 = arith.subf %add3A_318, %sub3A_320 : vector<16xf32>
      %jit3A_322 = arith.constant 0.000000e+00 : f32
      %jit3A_323 = arith.constant 2.550000e+02 : f32
      %max3A_324 = vector.broadcast %jit3A_322 : f32 to vector<16xf32>
      %max3A_325 = arith.maximumf %max3A_324, %sub3A_321 : vector<16xf32>
      %min3A_326 = vector.broadcast %jit3A_323 : f32 to vector<16xf32>
      %min3A_327 = arith.minimumf %min3A_326, %max3A_325 : vector<16xf32>
      %mul3A_328 = arith.constant 1.600000e+01 : f32
      %mul3A_329 = vector.broadcast %mul3A_328 : f32 to vector<16xf32>
      %mul3A_330 = arith.mulf %get3A_293, %mul3A_329 : vector<16xf32>
      %add3A_331 = arith.constant 0x4B400000 : f32
      %add3A_332 = vector.broadcast %add3A_331 : f32 to vector<16xf32>
      %add3A_333 = arith.addf %mul3A_330, %add3A_332 : vector<16xf32>
      %sub3A_334 = arith.constant 0x4B400000 : f32
      %sub3A_335 = vector.broadcast %sub3A_334 : f32 to vector<16xf32>
      %sub3A_336 = arith.subf %add3A_333, %sub3A_335 : vector<16xf32>
      %jit3A_337 = arith.constant 0.000000e+00 : f32
      %jit3A_338 = arith.constant 1.500000e+01 : f32
      %max3A_339 = vector.broadcast %jit3A_337 : f32 to vector<16xf32>
      %max3A_340 = arith.maximumf %max3A_339, %sub3A_336 : vector<16xf32>
      %min3A_341 = vector.broadcast %jit3A_338 : f32 to vector<16xf32>
      %min3A_342 = arith.minimumf %min3A_341, %max3A_340 : vector<16xf32>
      %mul3A_343 = arith.constant 1.600000e+01 : f32
      %mul3A_344 = vector.broadcast %mul3A_343 : f32 to vector<16xf32>
      %mul3A_345 = arith.mulf %get3A_297, %mul3A_344 : vector<16xf32>
      %add3A_346 = arith.constant 0x4B400000 : f32
      %add3A_347 = vector.broadcast %add3A_346 : f32 to vector<16xf32>
      %add3A_348 = arith.addf %mul3A_345, %add3A_347 : vector<16xf32>
      %sub3A_349 = arith.constant 0x4B400000 : f32
      %sub3A_350 = vector.broadcast %sub3A_349 : f32 to vector<16xf32>
      %sub3A_351 = arith.subf %add3A_348, %sub3A_350 : vector<16xf32>
      %jit3A_352 = arith.constant 0.000000e+00 : f32
      %jit3A_353 = arith.constant 1.500000e+01 : f32
      %max3A_354 = vector.broadcast %jit3A_352 : f32 to vector<16xf32>
      %max3A_355 = arith.maximumf %max3A_354, %sub3A_351 : vector<16xf32>
      %min3A_356 = vector.broadcast %jit3A_353 : f32 to vector<16xf32>
      %min3A_357 = arith.minimumf %min3A_356, %max3A_355 : vector<16xf32>
      %mul3A_358 = arith.constant 6.553600e+04 : f32
      %mul3A_359 = vector.broadcast %mul3A_358 : f32 to vector<16xf32>
      %mul3A_360 = arith.mulf %min3A_312, %mul3A_359 : vector<16xf32>
      %mul3A_361 = arith.constant 4.096000e+03 : f32
      %mul3A_362 = vector.broadcast %mul3A_361 : f32 to vector<16xf32>
      %mul3A_363 = arith.mulf %min3A_342, %mul3A_362 : vector<16xf32>
      %add3A_364 = arith.addf %mul3A_360, %mul3A_363 : vector<16xf32>
      %mul3A_365 = arith.constant 2.560000e+02 : f32
      %mul3A_366 = vector.broadcast %mul3A_365 : f32 to vector<16xf32>
      %mul3A_367 = arith.mulf %min3A_357, %mul3A_366 : vector<16xf32>
      %add3A_368 = arith.addf %add3A_364, %mul3A_367 : vector<16xf32>
      %add3A_369 = arith.addf %add3A_368, %min3A_327 : vector<16xf32>
      %convert_element_type3A_370 = arith.fptosi %add3A_369 : vector<16xf32> to vector<16xi32>
      %mul3A_371 = arith.constant 128 : i32
      %mul3A_372 = arith.muli %shift_right_arithmetic3A_177, %mul3A_371 : i32
      %mul3A_373 = arith.constant 16 : i32
      %mul3A_374 = arith.muli %add3A_278, %mul3A_373 : i32
      %add3A_375 = arith.addi %mul3A_372, %mul3A_374 : i32
      %dma_start3A_376 = tpu.memref_slice %arg8[%add3A_375] : memref<8192xf32, #tpu.memory_space<vmem>> -> memref<16xf32, #tpu.memory_space<vmem>>
      %dma_start3A_377 = arith.constant 0 : i32
      %dma_start3A_378 = tpu.memref_slice %arg3[%dma_start3A_377] : memref<16777216xf32, #tpu.memory_space<hbm>> -> memref<16777216xf32, #tpu.memory_space<hbm>>
      tpu.enqueue_indirect_dma source(%dma_start3A_378 : memref<16777216xf32, #tpu.memory_space<hbm>>) target(%dma_start3A_376 : memref<16xf32, #tpu.memory_space<vmem>>) offsets(%convert_element_type3A_370 : vector<16xi32>) semaphore(%arg12 : memref<!tpu.dma_semaphore, #tpu.memory_space<semaphore_mem>>)
      %add3A_379 = arith.constant 2 : i32
      %add3A_380 = arith.addi %mul3A_180, %add3A_379 : i32
      %mul3A_381 = arith.constant 512 : i32
      %mul3A_382 = arith.muli %shift_right_arithmetic3A_177, %mul3A_381 : i32
      %mul3A_383 = arith.constant 16 : i32
      %mul3A_384 = arith.muli %add3A_380, %mul3A_383 : i32
      %add3A_385 = arith.addi %mul3A_382, %mul3A_384 : i32
      %get3A_386 = arith.index_cast %add3A_385 : i32 to index
      %get3A_387 = tpu.vector_load %arg6[%get3A_386] {strides = array<i32>} : memref<32768xf32, #tpu.memory_space<vmem>>, vector<16xf32>,
      %add3A_388 = arith.constant 128 : i32
      %add3A_389 = arith.addi %add3A_385, %add3A_388 : i32
      %get3A_390 = arith.index_cast %add3A_389 : i32 to index
      %get3A_391 = tpu.vector_load %arg6[%get3A_390] {strides = array<i32>} : memref<32768xf32, #tpu.memory_space<vmem>>, vector<16xf32>,
      %add3A_392 = arith.constant 256 : i32
      %add3A_393 = arith.addi %add3A_385, %add3A_392 : i32
      %get3A_394 = arith.index_cast %add3A_393 : i32 to index
      %get3A_395 = tpu.vector_load %arg6[%get3A_394] {strides = array<i32>} : memref<32768xf32, #tpu.memory_space<vmem>>, vector<16xf32>,
      %add3A_396 = arith.constant 384 : i32
      %add3A_397 = arith.addi %add3A_385, %add3A_396 : i32
      %get3A_398 = arith.index_cast %add3A_397 : i32 to index
      %get3A_399 = tpu.vector_load %arg6[%get3A_398] {strides = array<i32>} : memref<32768xf32, #tpu.memory_space<vmem>>, vector<16xf32>,
      %mul3A_400 = arith.constant 2.560000e+02 : f32
      %mul3A_401 = vector.broadcast %mul3A_400 : f32 to vector<16xf32>
      %mul3A_402 = arith.mulf %get3A_387, %mul3A_401 : vector<16xf32>
      %add3A_403 = arith.constant 0x4B400000 : f32
      %add3A_404 = vector.broadcast %add3A_403 : f32 to vector<16xf32>
      %add3A_405 = arith.addf %mul3A_402, %add3A_404 : vector<16xf32>
      %sub3A_406 = arith.constant 0x4B400000 : f32
      %sub3A_407 = vector.broadcast %sub3A_406 : f32 to vector<16xf32>
      %sub3A_408 = arith.subf %add3A_405, %sub3A_407 : vector<16xf32>
      %jit3A_409 = arith.constant 0.000000e+00 : f32
      %jit3A_410 = arith.constant 2.550000e+02 : f32
      %max3A_411 = vector.broadcast %jit3A_409 : f32 to vector<16xf32>
      %max3A_412 = arith.maximumf %max3A_411, %sub3A_408 : vector<16xf32>
      %min3A_413 = vector.broadcast %jit3A_410 : f32 to vector<16xf32>
      %min3A_414 = arith.minimumf %min3A_413, %max3A_412 : vector<16xf32>
      %mul3A_415 = arith.constant 2.560000e+02 : f32
      %mul3A_416 = vector.broadcast %mul3A_415 : f32 to vector<16xf32>
      %mul3A_417 = arith.mulf %get3A_391, %mul3A_416 : vector<16xf32>
      %add3A_418 = arith.constant 0x4B400000 : f32
      %add3A_419 = vector.broadcast %add3A_418 : f32 to vector<16xf32>
      %add3A_420 = arith.addf %mul3A_417, %add3A_419 : vector<16xf32>
      %sub3A_421 = arith.constant 0x4B400000 : f32
      %sub3A_422 = vector.broadcast %sub3A_421 : f32 to vector<16xf32>
      %sub3A_423 = arith.subf %add3A_420, %sub3A_422 : vector<16xf32>
      %jit3A_424 = arith.constant 0.000000e+00 : f32
      %jit3A_425 = arith.constant 2.550000e+02 : f32
      %max3A_426 = vector.broadcast %jit3A_424 : f32 to vector<16xf32>
      %max3A_427 = arith.maximumf %max3A_426, %sub3A_423 : vector<16xf32>
      %min3A_428 = vector.broadcast %jit3A_425 : f32 to vector<16xf32>
      %min3A_429 = arith.minimumf %min3A_428, %max3A_427 : vector<16xf32>
      %mul3A_430 = arith.constant 1.600000e+01 : f32
      %mul3A_431 = vector.broadcast %mul3A_430 : f32 to vector<16xf32>
      %mul3A_432 = arith.mulf %get3A_395, %mul3A_431 : vector<16xf32>
      %add3A_433 = arith.constant 0x4B400000 : f32
      %add3A_434 = vector.broadcast %add3A_433 : f32 to vector<16xf32>
      %add3A_435 = arith.addf %mul3A_432, %add3A_434 : vector<16xf32>
      %sub3A_436 = arith.constant 0x4B400000 : f32
      %sub3A_437 = vector.broadcast %sub3A_436 : f32 to vector<16xf32>
      %sub3A_438 = arith.subf %add3A_435, %sub3A_437 : vector<16xf32>
      %jit3A_439 = arith.constant 0.000000e+00 : f32
      %jit3A_440 = arith.constant 1.500000e+01 : f32
      %max3A_441 = vector.broadcast %jit3A_439 : f32 to vector<16xf32>
      %max3A_442 = arith.maximumf %max3A_441, %sub3A_438 : vector<16xf32>
      %min3A_443 = vector.broadcast %jit3A_440 : f32 to vector<16xf32>
      %min3A_444 = arith.minimumf %min3A_443, %max3A_442 : vector<16xf32>
      %mul3A_445 = arith.constant 1.600000e+01 : f32
      %mul3A_446 = vector.broadcast %mul3A_445 : f32 to vector<16xf32>
      %mul3A_447 = arith.mulf %get3A_399, %mul3A_446 : vector<16xf32>
      %add3A_448 = arith.constant 0x4B400000 : f32
      %add3A_449 = vector.broadcast %add3A_448 : f32 to vector<16xf32>
      %add3A_450 = arith.addf %mul3A_447, %add3A_449 : vector<16xf32>
      %sub3A_451 = arith.constant 0x4B400000 : f32
      %sub3A_452 = vector.broadcast %sub3A_451 : f32 to vector<16xf32>
      %sub3A_453 = arith.subf %add3A_450, %sub3A_452 : vector<16xf32>
      %jit3A_454 = arith.constant 0.000000e+00 : f32
      %jit3A_455 = arith.constant 1.500000e+01 : f32
      %max3A_456 = vector.broadcast %jit3A_454 : f32 to vector<16xf32>
      %max3A_457 = arith.maximumf %max3A_456, %sub3A_453 : vector<16xf32>
      %min3A_458 = vector.broadcast %jit3A_455 : f32 to vector<16xf32>
      %min3A_459 = arith.minimumf %min3A_458, %max3A_457 : vector<16xf32>
      %mul3A_460 = arith.constant 6.553600e+04 : f32
      %mul3A_461 = vector.broadcast %mul3A_460 : f32 to vector<16xf32>
      %mul3A_462 = arith.mulf %min3A_414, %mul3A_461 : vector<16xf32>
      %mul3A_463 = arith.constant 4.096000e+03 : f32
      %mul3A_464 = vector.broadcast %mul3A_463 : f32 to vector<16xf32>
      %mul3A_465 = arith.mulf %min3A_444, %mul3A_464 : vector<16xf32>
      %add3A_466 = arith.addf %mul3A_462, %mul3A_465 : vector<16xf32>
      %mul3A_467 = arith.constant 2.560000e+02 : f32
      %mul3A_468 = vector.broadcast %mul3A_467 : f32 to vector<16xf32>
      %mul3A_469 = arith.mulf %min3A_459, %mul3A_468 : vector<16xf32>
      %add3A_470 = arith.addf %add3A_466, %mul3A_469 : vector<16xf32>
      %add3A_471 = arith.addf %add3A_470, %min3A_429 : vector<16xf32>
      %convert_element_type3A_472 = arith.fptosi %add3A_471 : vector<16xf32> to vector<16xi32>
      %mul3A_473 = arith.constant 128 : i32
      %mul3A_474 = arith.muli %shift_right_arithmetic3A_177, %mul3A_473 : i32
      %mul3A_475 = arith.constant 16 : i32
      %mul3A_476 = arith.muli %add3A_380, %mul3A_475 : i32
      %add3A_477 = arith.addi %mul3A_474, %mul3A_476 : i32
      %dma_start3A_478 = tpu.memref_slice %arg8[%add3A_477] : memref<8192xf32, #tpu.memory_space<vmem>> -> memref<16xf32, #tpu.memory_space<vmem>>
      %dma_start3A_479 = arith.constant 0 : i32
      %dma_start3A_480 = tpu.memref_slice %arg3[%dma_start3A_479] : memref<16777216xf32, #tpu.memory_space<hbm>> -> memref<16777216xf32, #tpu.memory_space<hbm>>
      tpu.enqueue_indirect_dma source(%dma_start3A_480 : memref<16777216xf32, #tpu.memory_space<hbm>>) target(%dma_start3A_478 : memref<16xf32, #tpu.memory_space<vmem>>) offsets(%convert_element_type3A_472 : vector<16xi32>) semaphore(%arg12 : memref<!tpu.dma_semaphore, #tpu.memory_space<semaphore_mem>>)
      %add3A_481 = arith.constant 3 : i32
      %add3A_482 = arith.addi %mul3A_180, %add3A_481 : i32
      %mul3A_483 = arith.constant 512 : i32
      %mul3A_484 = arith.muli %shift_right_arithmetic3A_177, %mul3A_483 : i32
      %mul3A_485 = arith.constant 16 : i32
      %mul3A_486 = arith.muli %add3A_482, %mul3A_485 : i32
      %add3A_487 = arith.addi %mul3A_484, %mul3A_486 : i32
      %get3A_488 = arith.index_cast %add3A_487 : i32 to index
      %get3A_489 = tpu.vector_load %arg6[%get3A_488] {strides = array<i32>} : memref<32768xf32, #tpu.memory_space<vmem>>, vector<16xf32>,
      %add3A_490 = arith.constant 128 : i32
      %add3A_491 = arith.addi %add3A_487, %add3A_490 : i32
      %get3A_492 = arith.index_cast %add3A_491 : i32 to index
      %get3A_493 = tpu.vector_load %arg6[%get3A_492] {strides = array<i32>} : memref<32768xf32, #tpu.memory_space<vmem>>, vector<16xf32>,
      %add3A_494 = arith.constant 256 : i32
      %add3A_495 = arith.addi %add3A_487, %add3A_494 : i32
      %get3A_496 = arith.index_cast %add3A_495 : i32 to index
      %get3A_497 = tpu.vector_load %arg6[%get3A_496] {strides = array<i32>} : memref<32768xf32, #tpu.memory_space<vmem>>, vector<16xf32>,
      %add3A_498 = arith.constant 384 : i32
      %add3A_499 = arith.addi %add3A_487, %add3A_498 : i32
      %get3A_500 = arith.index_cast %add3A_499 : i32 to index
      %get3A_501 = tpu.vector_load %arg6[%get3A_500] {strides = array<i32>} : memref<32768xf32, #tpu.memory_space<vmem>>, vector<16xf32>,
      %mul3A_502 = arith.constant 2.560000e+02 : f32
      %mul3A_503 = vector.broadcast %mul3A_502 : f32 to vector<16xf32>
      %mul3A_504 = arith.mulf %get3A_489, %mul3A_503 : vector<16xf32>
      %add3A_505 = arith.constant 0x4B400000 : f32
      %add3A_506 = vector.broadcast %add3A_505 : f32 to vector<16xf32>
      %add3A_507 = arith.addf %mul3A_504, %add3A_506 : vector<16xf32>
      %sub3A_508 = arith.constant 0x4B400000 : f32
      %sub3A_509 = vector.broadcast %sub3A_508 : f32 to vector<16xf32>
      %sub3A_510 = arith.subf %add3A_507, %sub3A_509 : vector<16xf32>
      %jit3A_511 = arith.constant 0.000000e+00 : f32
      %jit3A_512 = arith.constant 2.550000e+02 : f32
      %max3A_513 = vector.broadcast %jit3A_511 : f32 to vector<16xf32>
      %max3A_514 = arith.maximumf %max3A_513, %sub3A_510 : vector<16xf32>
      %min3A_515 = vector.broadcast %jit3A_512 : f32 to vector<16xf32>
      %min3A_516 = arith.minimumf %min3A_515, %max3A_514 : vector<16xf32>
      %mul3A_517 = arith.constant 2.560000e+02 : f32
      %mul3A_518 = vector.broadcast %mul3A_517 : f32 to vector<16xf32>
      %mul3A_519 = arith.mulf %get3A_493, %mul3A_518 : vector<16xf32>
      %add3A_520 = arith.constant 0x4B400000 : f32
      %add3A_521 = vector.broadcast %add3A_520 : f32 to vector<16xf32>
      %add3A_522 = arith.addf %mul3A_519, %add3A_521 : vector<16xf32>
      %sub3A_523 = arith.constant 0x4B400000 : f32
      %sub3A_524 = vector.broadcast %sub3A_523 : f32 to vector<16xf32>
      %sub3A_525 = arith.subf %add3A_522, %sub3A_524 : vector<16xf32>
      %jit3A_526 = arith.constant 0.000000e+00 : f32
      %jit3A_527 = arith.constant 2.550000e+02 : f32
      %max3A_528 = vector.broadcast %jit3A_526 : f32 to vector<16xf32>
      %max3A_529 = arith.maximumf %max3A_528, %sub3A_525 : vector<16xf32>
      %min3A_530 = vector.broadcast %jit3A_527 : f32 to vector<16xf32>
      %min3A_531 = arith.minimumf %min3A_530, %max3A_529 : vector<16xf32>
      %mul3A_532 = arith.constant 1.600000e+01 : f32
      %mul3A_533 = vector.broadcast %mul3A_532 : f32 to vector<16xf32>
      %mul3A_534 = arith.mulf %get3A_497, %mul3A_533 : vector<16xf32>
      %add3A_535 = arith.constant 0x4B400000 : f32
      %add3A_536 = vector.broadcast %add3A_535 : f32 to vector<16xf32>
      %add3A_537 = arith.addf %mul3A_534, %add3A_536 : vector<16xf32>
      %sub3A_538 = arith.constant 0x4B400000 : f32
      %sub3A_539 = vector.broadcast %sub3A_538 : f32 to vector<16xf32>
      %sub3A_540 = arith.subf %add3A_537, %sub3A_539 : vector<16xf32>
      %jit3A_541 = arith.constant 0.000000e+00 : f32
      %jit3A_542 = arith.constant 1.500000e+01 : f32
      %max3A_543 = vector.broadcast %jit3A_541 : f32 to vector<16xf32>
      %max3A_544 = arith.maximumf %max3A_543, %sub3A_540 : vector<16xf32>
      %min3A_545 = vector.broadcast %jit3A_542 : f32 to vector<16xf32>
      %min3A_546 = arith.minimumf %min3A_545, %max3A_544 : vector<16xf32>
      %mul3A_547 = arith.constant 1.600000e+01 : f32
      %mul3A_548 = vector.broadcast %mul3A_547 : f32 to vector<16xf32>
      %mul3A_549 = arith.mulf %get3A_501, %mul3A_548 : vector<16xf32>
      %add3A_550 = arith.constant 0x4B400000 : f32
      %add3A_551 = vector.broadcast %add3A_550 : f32 to vector<16xf32>
      %add3A_552 = arith.addf %mul3A_549, %add3A_551 : vector<16xf32>
      %sub3A_553 = arith.constant 0x4B400000 : f32
      %sub3A_554 = vector.broadcast %sub3A_553 : f32 to vector<16xf32>
      %sub3A_555 = arith.subf %add3A_552, %sub3A_554 : vector<16xf32>
      %jit3A_556 = arith.constant 0.000000e+00 : f32
      %jit3A_557 = arith.constant 1.500000e+01 : f32
      %max3A_558 = vector.broadcast %jit3A_556 : f32 to vector<16xf32>
      %max3A_559 = arith.maximumf %max3A_558, %sub3A_555 : vector<16xf32>
      %min3A_560 = vector.broadcast %jit3A_557 : f32 to vector<16xf32>
      %min3A_561 = arith.minimumf %min3A_560, %max3A_559 : vector<16xf32>
      %mul3A_562 = arith.constant 6.553600e+04 : f32
      %mul3A_563 = vector.broadcast %mul3A_562 : f32 to vector<16xf32>
      %mul3A_564 = arith.mulf %min3A_516, %mul3A_563 : vector<16xf32>
      %mul3A_565 = arith.constant 4.096000e+03 : f32
      %mul3A_566 = vector.broadcast %mul3A_565 : f32 to vector<16xf32>
      %mul3A_567 = arith.mulf %min3A_546, %mul3A_566 : vector<16xf32>
      %add3A_568 = arith.addf %mul3A_564, %mul3A_567 : vector<16xf32>
      %mul3A_569 = arith.constant 2.560000e+02 : f32
      %mul3A_570 = vector.broadcast %mul3A_569 : f32 to vector<16xf32>
      %mul3A_571 = arith.mulf %min3A_561, %mul3A_570 : vector<16xf32>
      %add3A_572 = arith.addf %add3A_568, %mul3A_571 : vector<16xf32>
      %add3A_573 = arith.addf %add3A_572, %min3A_531 : vector<16xf32>
      %convert_element_type3A_574 = arith.fptosi %add3A_573 : vector<16xf32> to vector<16xi32>
      %mul3A_575 = arith.constant 128 : i32
      %mul3A_576 = arith.muli %shift_right_arithmetic3A_177, %mul3A_575 : i32
      %mul3A_577 = arith.constant 16 : i32
      %mul3A_578 = arith.muli %add3A_482, %mul3A_577 : i32
      %add3A_579 = arith.addi %mul3A_576, %mul3A_578 : i32
      %dma_start3A_580 = tpu.memref_slice %arg8[%add3A_579] : memref<8192xf32, #tpu.memory_space<vmem>> -> memref<16xf32, #tpu.memory_space<vmem>>
      %dma_start3A_581 = arith.constant 0 : i32
      %dma_start3A_582 = tpu.memref_slice %arg3[%dma_start3A_581] : memref<16777216xf32, #tpu.memory_space<hbm>> -> memref<16777216xf32, #tpu.memory_space<hbm>>
      tpu.enqueue_indirect_dma source(%dma_start3A_582 : memref<16777216xf32, #tpu.memory_space<hbm>>) target(%dma_start3A_580 : memref<16xf32, #tpu.memory_space<vmem>>) offsets(%convert_element_type3A_574 : vector<16xi32>) semaphore(%arg12 : memref<!tpu.dma_semaphore, #tpu.memory_space<semaphore_mem>>)
    }
    %scan3A_53 = arith.constant 128 : i32
    %add3A_54 = arith.constant 24576 : i32
    %add3A_55 = arith.addi %multiple_of3A, %add3A_54 : i32
    %mul3A_56 = arith.constant 4 : i32
    %mul3A_57 = arith.muli %add3A_55, %mul3A_56 : i32
    %dma_start3A_58 = arith.constant 0 : i32
    %dma_start3A_59 = tpu.memref_slice %arg6[%dma_start3A_58] : memref<32768xf32, #tpu.memory_space<vmem>> -> memref<32768xf32, #tpu.memory_space<vmem>>
    %dma_start3A_60 = tpu.memref_slice %arg2[%mul3A_57] : memref<4194304xf32, #tpu.memory_space<hbm>> -> memref<32768xf32, #tpu.memory_space<hbm>>
    %dma_start3A_61 = arith.constant 0 : i32
    %dma_start3A_62 = tpu.memref_slice %arg6[%dma_start3A_61] : memref<32768xf32, #tpu.memory_space<vmem>> -> memref<32768xf32, #tpu.memory_space<vmem>>
    %dma_start3A_63 = tpu.memref_slice %arg2[%mul3A_57] : memref<4194304xf32, #tpu.memory_space<hbm>> -> memref<32768xf32, #tpu.memory_space<hbm>>
    tpu.enqueue_dma source(%dma_start3A_63 : memref<32768xf32, #tpu.memory_space<hbm>>) target(%dma_start3A_62 : memref<32768xf32, #tpu.memory_space<vmem>>) target_semaphore(%arg10 : memref<!tpu.dma_semaphore, #tpu.memory_space<semaphore_mem>>)
    %dma_wait3A_64 = arith.constant 0 : i32
    %dma_wait3A_65 = tpu.memref_slice %arg7[%dma_wait3A_64] : memref<8192xf32, #tpu.memory_space<vmem>> -> memref<8192xf32, #tpu.memory_space<vmem>>
    %dma_wait3A_66 = arith.constant 0 : i32
    %dma_wait3A_67 = tpu.memref_slice %arg3[%dma_wait3A_66] : memref<16777216xf32, #tpu.memory_space<hbm>> -> memref<8192xf32, #tpu.memory_space<hbm>>
    %dma_wait3A_68 = arith.constant 0 : i32
    %dma_wait3A_69 = tpu.memref_slice %arg7[%dma_wait3A_68] : memref<8192xf32, #tpu.memory_space<vmem>> -> memref<8192xf32, #tpu.memory_space<vmem>>
    %dma_wait3A_70 = arith.constant 0 : i32
    %dma_wait3A_71 = tpu.memref_slice %arg3[%dma_wait3A_70] : memref<16777216xf32, #tpu.memory_space<hbm>> -> memref<8192xf32, #tpu.memory_space<hbm>>
    tpu.wait_dma2 semaphore(%arg11 : memref<!tpu.dma_semaphore, #tpu.memory_space<semaphore_mem>>) src(%dma_wait3A_71 : memref<8192xf32, #tpu.memory_space<hbm>>) dst(%dma_wait3A_69 : memref<8192xf32, #tpu.memory_space<vmem>>)
    %add3A_72 = arith.constant 0 : i32
    %add3A_73 = arith.addi %multiple_of3A, %add3A_72 : i32
    %dma_start3A_74 = arith.constant 0 : i32
    %dma_start3A_75 = tpu.memref_slice %arg7[%dma_start3A_74] : memref<8192xf32, #tpu.memory_space<vmem>> -> memref<8192xf32, #tpu.memory_space<vmem>>
    %dma_start3A_76 = tpu.memref_slice %arg4[%add3A_73] : memref<1048576xf32, #tpu.memory_space<hbm>> -> memref<8192xf32, #tpu.memory_space<hbm>>
    %dma_start3A_77 = tpu.memref_slice %arg4[%add3A_73] : memref<1048576xf32, #tpu.memory_space<hbm>> -> memref<8192xf32, #tpu.memory_space<hbm>>
    %dma_start3A_78 = arith.constant 0 : i32
    %dma_start3A_79 = tpu.memref_slice %arg7[%dma_start3A_78] : memref<8192xf32, #tpu.memory_space<vmem>> -> memref<8192xf32, #tpu.memory_space<vmem>>
    tpu.enqueue_dma source(%dma_start3A_79 : memref<8192xf32, #tpu.memory_space<vmem>>) target(%dma_start3A_77 : memref<8192xf32, #tpu.memory_space<hbm>>) target_semaphore(%arg13 : memref<!tpu.dma_semaphore, #tpu.memory_space<semaphore_mem>>)
    %dma_wait3A_80 = arith.constant 0 : i32
    %dma_wait3A_81 = tpu.memref_slice %arg5[%dma_wait3A_80] : memref<32768xf32, #tpu.memory_space<vmem>> -> memref<32768xf32, #tpu.memory_space<vmem>>
    %dma_wait3A_82 = tpu.memref_slice %arg2[%mul3A_35] : memref<4194304xf32, #tpu.memory_space<hbm>> -> memref<32768xf32, #tpu.memory_space<hbm>>
    %dma_wait3A_83 = arith.constant 0 : i32
    %dma_wait3A_84 = tpu.memref_slice %arg5[%dma_wait3A_83] : memref<32768xf32, #tpu.memory_space<vmem>> -> memref<32768xf32, #tpu.memory_space<vmem>>
    %dma_wait3A_85 = tpu.memref_slice %arg2[%mul3A_35] : memref<4194304xf32, #tpu.memory_space<hbm>> -> memref<32768xf32, #tpu.memory_space<hbm>>
    tpu.wait_dma2 semaphore(%arg9 : memref<!tpu.dma_semaphore, #tpu.memory_space<semaphore_mem>>) src(%dma_wait3A_85 : memref<32768xf32, #tpu.memory_space<hbm>>) dst(%dma_wait3A_84 : memref<32768xf32, #tpu.memory_space<vmem>>)
    %dma_wait3A_86 = arith.constant 0 : i32
    %dma_wait3A_87 = tpu.memref_slice %arg7[%dma_wait3A_86] : memref<8192xf32, #tpu.memory_space<vmem>> -> memref<8192xf32, #tpu.memory_space<vmem>>
    %dma_wait3A_88 = tpu.memref_slice %arg4[%add3A_73] : memref<1048576xf32, #tpu.memory_space<hbm>> -> memref<8192xf32, #tpu.memory_space<hbm>>
    %dma_wait3A_89 = tpu.memref_slice %arg4[%add3A_73] : memref<1048576xf32, #tpu.memory_space<hbm>> -> memref<8192xf32, #tpu.memory_space<hbm>>
    %dma_wait3A_90 = arith.constant 0 : i32
    %dma_wait3A_91 = tpu.memref_slice %arg7[%dma_wait3A_90] : memref<8192xf32, #tpu.memory_space<vmem>> -> memref<8192xf32, #tpu.memory_space<vmem>>
    tpu.wait_dma2 semaphore(%arg13 : memref<!tpu.dma_semaphore, #tpu.memory_space<semaphore_mem>>) src(%dma_wait3A_91 : memref<8192xf32, #tpu.memory_space<vmem>>) dst(%dma_wait3A_89 : memref<8192xf32, #tpu.memory_space<hbm>>)
    %scan3A_92 = arith.constant 0 : i32
    %scan3A_93 = arith.constant 0 : i32
    %scan3A_94 = arith.constant 128 : i32
    %scan3A_95 = arith.addi %scan3A_93, %scan3A_94 : i32
    %scan3A_96 = arith.constant 1 : i32
    scf.for %scan3A_176 = %scan3A_93 to %scan3A_95 step %scan3A_96  : i32 {
      %shift_right_arithmetic3A = arith.constant 1 : i32
      %shift_right_arithmetic3A_177 = arith.shrsi %scan3A_176, %shift_right_arithmetic3A : i32
      %and3A = arith.constant 1 : i32
      %and3A_178 = arith.andi %scan3A_176, %and3A : i32
      %mul3A_179 = arith.constant 4 : i32
      %mul3A_180 = arith.muli %and3A_178, %mul3A_179 : i32
      %add3A_181 = arith.constant 0 : i32
      %add3A_182 = arith.addi %mul3A_180, %add3A_181 : i32
      %mul3A_183 = arith.constant 512 : i32
      %mul3A_184 = arith.muli %shift_right_arithmetic3A_177, %mul3A_183 : i32
      %mul3A_185 = arith.constant 16 : i32
      %mul3A_186 = arith.muli %add3A_182, %mul3A_185 : i32
      %add3A_187 = arith.addi %mul3A_184, %mul3A_186 : i32
      %get3A = arith.index_cast %add3A_187 : i32 to index
      %get3A_188 = tpu.vector_load %arg5[%get3A] {strides = array<i32>} : memref<32768xf32, #tpu.memory_space<vmem>>, vector<16xf32>,
      %add3A_189 = arith.constant 128 : i32
      %add3A_190 = arith.addi %add3A_187, %add3A_189 : i32
      %get3A_191 = arith.index_cast %add3A_190 : i32 to index
      %get3A_192 = tpu.vector_load %arg5[%get3A_191] {strides = array<i32>} : memref<32768xf32, #tpu.memory_space<vmem>>, vector<16xf32>,
      %add3A_193 = arith.constant 256 : i32
      %add3A_194 = arith.addi %add3A_187, %add3A_193 : i32
      %get3A_195 = arith.index_cast %add3A_194 : i32 to index
      %get3A_196 = tpu.vector_load %arg5[%get3A_195] {strides = array<i32>} : memref<32768xf32, #tpu.memory_space<vmem>>, vector<16xf32>,
      %add3A_197 = arith.constant 384 : i32
      %add3A_198 = arith.addi %add3A_187, %add3A_197 : i32
      %get3A_199 = arith.index_cast %add3A_198 : i32 to index
      %get3A_200 = tpu.vector_load %arg5[%get3A_199] {strides = array<i32>} : memref<32768xf32, #tpu.memory_space<vmem>>, vector<16xf32>,
      %mul3A_201 = arith.constant 2.560000e+02 : f32
      %mul3A_202 = vector.broadcast %mul3A_201 : f32 to vector<16xf32>
      %mul3A_203 = arith.mulf %get3A_188, %mul3A_202 : vector<16xf32>
      %add3A_204 = arith.constant 0x4B400000 : f32
      %add3A_205 = vector.broadcast %add3A_204 : f32 to vector<16xf32>
      %add3A_206 = arith.addf %mul3A_203, %add3A_205 : vector<16xf32>
      %sub3A = arith.constant 0x4B400000 : f32
      %sub3A_207 = vector.broadcast %sub3A : f32 to vector<16xf32>
      %sub3A_208 = arith.subf %add3A_206, %sub3A_207 : vector<16xf32>
      %jit3A = arith.constant 0.000000e+00 : f32
      %jit3A_209 = arith.constant 2.550000e+02 : f32
      %max3A = vector.broadcast %jit3A : f32 to vector<16xf32>
      %max3A_210 = arith.maximumf %max3A, %sub3A_208 : vector<16xf32>
      %min3A = vector.broadcast %jit3A_209 : f32 to vector<16xf32>
      %min3A_211 = arith.minimumf %min3A, %max3A_210 : vector<16xf32>
      %mul3A_212 = arith.constant 2.560000e+02 : f32
      %mul3A_213 = vector.broadcast %mul3A_212 : f32 to vector<16xf32>
      %mul3A_214 = arith.mulf %get3A_192, %mul3A_213 : vector<16xf32>
      %add3A_215 = arith.constant 0x4B400000 : f32
      %add3A_216 = vector.broadcast %add3A_215 : f32 to vector<16xf32>
      %add3A_217 = arith.addf %mul3A_214, %add3A_216 : vector<16xf32>
      %sub3A_218 = arith.constant 0x4B400000 : f32
      %sub3A_219 = vector.broadcast %sub3A_218 : f32 to vector<16xf32>
      %sub3A_220 = arith.subf %add3A_217, %sub3A_219 : vector<16xf32>
      %jit3A_221 = arith.constant 0.000000e+00 : f32
      %jit3A_222 = arith.constant 2.550000e+02 : f32
      %max3A_223 = vector.broadcast %jit3A_221 : f32 to vector<16xf32>
      %max3A_224 = arith.maximumf %max3A_223, %sub3A_220 : vector<16xf32>
      %min3A_225 = vector.broadcast %jit3A_222 : f32 to vector<16xf32>
      %min3A_226 = arith.minimumf %min3A_225, %max3A_224 : vector<16xf32>
      %mul3A_227 = arith.constant 1.600000e+01 : f32
      %mul3A_228 = vector.broadcast %mul3A_227 : f32 to vector<16xf32>
      %mul3A_229 = arith.mulf %get3A_196, %mul3A_228 : vector<16xf32>
      %add3A_230 = arith.constant 0x4B400000 : f32
      %add3A_231 = vector.broadcast %add3A_230 : f32 to vector<16xf32>
      %add3A_232 = arith.addf %mul3A_229, %add3A_231 : vector<16xf32>
      %sub3A_233 = arith.constant 0x4B400000 : f32
      %sub3A_234 = vector.broadcast %sub3A_233 : f32 to vector<16xf32>
      %sub3A_235 = arith.subf %add3A_232, %sub3A_234 : vector<16xf32>
      %jit3A_236 = arith.constant 0.000000e+00 : f32
      %jit3A_237 = arith.constant 1.500000e+01 : f32
      %max3A_238 = vector.broadcast %jit3A_236 : f32 to vector<16xf32>
      %max3A_239 = arith.maximumf %max3A_238, %sub3A_235 : vector<16xf32>
      %min3A_240 = vector.broadcast %jit3A_237 : f32 to vector<16xf32>
      %min3A_241 = arith.minimumf %min3A_240, %max3A_239 : vector<16xf32>
      %mul3A_242 = arith.constant 1.600000e+01 : f32
      %mul3A_243 = vector.broadcast %mul3A_242 : f32 to vector<16xf32>
      %mul3A_244 = arith.mulf %get3A_200, %mul3A_243 : vector<16xf32>
      %add3A_245 = arith.constant 0x4B400000 : f32
      %add3A_246 = vector.broadcast %add3A_245 : f32 to vector<16xf32>
      %add3A_247 = arith.addf %mul3A_244, %add3A_246 : vector<16xf32>
      %sub3A_248 = arith.constant 0x4B400000 : f32
      %sub3A_249 = vector.broadcast %sub3A_248 : f32 to vector<16xf32>
      %sub3A_250 = arith.subf %add3A_247, %sub3A_249 : vector<16xf32>
      %jit3A_251 = arith.constant 0.000000e+00 : f32
      %jit3A_252 = arith.constant 1.500000e+01 : f32
      %max3A_253 = vector.broadcast %jit3A_251 : f32 to vector<16xf32>
      %max3A_254 = arith.maximumf %max3A_253, %sub3A_250 : vector<16xf32>
      %min3A_255 = vector.broadcast %jit3A_252 : f32 to vector<16xf32>
      %min3A_256 = arith.minimumf %min3A_255, %max3A_254 : vector<16xf32>
      %mul3A_257 = arith.constant 6.553600e+04 : f32
      %mul3A_258 = vector.broadcast %mul3A_257 : f32 to vector<16xf32>
      %mul3A_259 = arith.mulf %min3A_211, %mul3A_258 : vector<16xf32>
      %mul3A_260 = arith.constant 4.096000e+03 : f32
      %mul3A_261 = vector.broadcast %mul3A_260 : f32 to vector<16xf32>
      %mul3A_262 = arith.mulf %min3A_241, %mul3A_261 : vector<16xf32>
      %add3A_263 = arith.addf %mul3A_259, %mul3A_262 : vector<16xf32>
      %mul3A_264 = arith.constant 2.560000e+02 : f32
      %mul3A_265 = vector.broadcast %mul3A_264 : f32 to vector<16xf32>
      %mul3A_266 = arith.mulf %min3A_256, %mul3A_265 : vector<16xf32>
      %add3A_267 = arith.addf %add3A_263, %mul3A_266 : vector<16xf32>
      %add3A_268 = arith.addf %add3A_267, %min3A_226 : vector<16xf32>
      %convert_element_type3A = arith.fptosi %add3A_268 : vector<16xf32> to vector<16xi32>
      %mul3A_269 = arith.constant 128 : i32
      %mul3A_270 = arith.muli %shift_right_arithmetic3A_177, %mul3A_269 : i32
      %mul3A_271 = arith.constant 16 : i32
      %mul3A_272 = arith.muli %add3A_182, %mul3A_271 : i32
      %add3A_273 = arith.addi %mul3A_270, %mul3A_272 : i32
      %dma_start3A_274 = tpu.memref_slice %arg7[%add3A_273] : memref<8192xf32, #tpu.memory_space<vmem>> -> memref<16xf32, #tpu.memory_space<vmem>>
      %dma_start3A_275 = arith.constant 0 : i32
      %dma_start3A_276 = tpu.memref_slice %arg3[%dma_start3A_275] : memref<16777216xf32, #tpu.memory_space<hbm>> -> memref<16777216xf32, #tpu.memory_space<hbm>>
      tpu.enqueue_indirect_dma source(%dma_start3A_276 : memref<16777216xf32, #tpu.memory_space<hbm>>) target(%dma_start3A_274 : memref<16xf32, #tpu.memory_space<vmem>>) offsets(%convert_element_type3A : vector<16xi32>) semaphore(%arg11 : memref<!tpu.dma_semaphore, #tpu.memory_space<semaphore_mem>>)
      %add3A_277 = arith.constant 1 : i32
      %add3A_278 = arith.addi %mul3A_180, %add3A_277 : i32
      %mul3A_279 = arith.constant 512 : i32
      %mul3A_280 = arith.muli %shift_right_arithmetic3A_177, %mul3A_279 : i32
      %mul3A_281 = arith.constant 16 : i32
      %mul3A_282 = arith.muli %add3A_278, %mul3A_281 : i32
      %add3A_283 = arith.addi %mul3A_280, %mul3A_282 : i32
      %get3A_284 = arith.index_cast %add3A_283 : i32 to index
      %get3A_285 = tpu.vector_load %arg5[%get3A_284] {strides = array<i32>} : memref<32768xf32, #tpu.memory_space<vmem>>, vector<16xf32>,
      %add3A_286 = arith.constant 128 : i32
      %add3A_287 = arith.addi %add3A_283, %add3A_286 : i32
      %get3A_288 = arith.index_cast %add3A_287 : i32 to index
      %get3A_289 = tpu.vector_load %arg5[%get3A_288] {strides = array<i32>} : memref<32768xf32, #tpu.memory_space<vmem>>, vector<16xf32>,
      %add3A_290 = arith.constant 256 : i32
      %add3A_291 = arith.addi %add3A_283, %add3A_290 : i32
      %get3A_292 = arith.index_cast %add3A_291 : i32 to index
      %get3A_293 = tpu.vector_load %arg5[%get3A_292] {strides = array<i32>} : memref<32768xf32, #tpu.memory_space<vmem>>, vector<16xf32>,
      %add3A_294 = arith.constant 384 : i32
      %add3A_295 = arith.addi %add3A_283, %add3A_294 : i32
      %get3A_296 = arith.index_cast %add3A_295 : i32 to index
      %get3A_297 = tpu.vector_load %arg5[%get3A_296] {strides = array<i32>} : memref<32768xf32, #tpu.memory_space<vmem>>, vector<16xf32>,
      %mul3A_298 = arith.constant 2.560000e+02 : f32
      %mul3A_299 = vector.broadcast %mul3A_298 : f32 to vector<16xf32>
      %mul3A_300 = arith.mulf %get3A_285, %mul3A_299 : vector<16xf32>
      %add3A_301 = arith.constant 0x4B400000 : f32
      %add3A_302 = vector.broadcast %add3A_301 : f32 to vector<16xf32>
      %add3A_303 = arith.addf %mul3A_300, %add3A_302 : vector<16xf32>
      %sub3A_304 = arith.constant 0x4B400000 : f32
      %sub3A_305 = vector.broadcast %sub3A_304 : f32 to vector<16xf32>
      %sub3A_306 = arith.subf %add3A_303, %sub3A_305 : vector<16xf32>
      %jit3A_307 = arith.constant 0.000000e+00 : f32
      %jit3A_308 = arith.constant 2.550000e+02 : f32
      %max3A_309 = vector.broadcast %jit3A_307 : f32 to vector<16xf32>
      %max3A_310 = arith.maximumf %max3A_309, %sub3A_306 : vector<16xf32>
      %min3A_311 = vector.broadcast %jit3A_308 : f32 to vector<16xf32>
      %min3A_312 = arith.minimumf %min3A_311, %max3A_310 : vector<16xf32>
      %mul3A_313 = arith.constant 2.560000e+02 : f32
      %mul3A_314 = vector.broadcast %mul3A_313 : f32 to vector<16xf32>
      %mul3A_315 = arith.mulf %get3A_289, %mul3A_314 : vector<16xf32>
      %add3A_316 = arith.constant 0x4B400000 : f32
      %add3A_317 = vector.broadcast %add3A_316 : f32 to vector<16xf32>
      %add3A_318 = arith.addf %mul3A_315, %add3A_317 : vector<16xf32>
      %sub3A_319 = arith.constant 0x4B400000 : f32
      %sub3A_320 = vector.broadcast %sub3A_319 : f32 to vector<16xf32>
      %sub3A_321 = arith.subf %add3A_318, %sub3A_320 : vector<16xf32>
      %jit3A_322 = arith.constant 0.000000e+00 : f32
      %jit3A_323 = arith.constant 2.550000e+02 : f32
      %max3A_324 = vector.broadcast %jit3A_322 : f32 to vector<16xf32>
      %max3A_325 = arith.maximumf %max3A_324, %sub3A_321 : vector<16xf32>
      %min3A_326 = vector.broadcast %jit3A_323 : f32 to vector<16xf32>
      %min3A_327 = arith.minimumf %min3A_326, %max3A_325 : vector<16xf32>
      %mul3A_328 = arith.constant 1.600000e+01 : f32
      %mul3A_329 = vector.broadcast %mul3A_328 : f32 to vector<16xf32>
      %mul3A_330 = arith.mulf %get3A_293, %mul3A_329 : vector<16xf32>
      %add3A_331 = arith.constant 0x4B400000 : f32
      %add3A_332 = vector.broadcast %add3A_331 : f32 to vector<16xf32>
      %add3A_333 = arith.addf %mul3A_330, %add3A_332 : vector<16xf32>
      %sub3A_334 = arith.constant 0x4B400000 : f32
      %sub3A_335 = vector.broadcast %sub3A_334 : f32 to vector<16xf32>
      %sub3A_336 = arith.subf %add3A_333, %sub3A_335 : vector<16xf32>
      %jit3A_337 = arith.constant 0.000000e+00 : f32
      %jit3A_338 = arith.constant 1.500000e+01 : f32
      %max3A_339 = vector.broadcast %jit3A_337 : f32 to vector<16xf32>
      %max3A_340 = arith.maximumf %max3A_339, %sub3A_336 : vector<16xf32>
      %min3A_341 = vector.broadcast %jit3A_338 : f32 to vector<16xf32>
      %min3A_342 = arith.minimumf %min3A_341, %max3A_340 : vector<16xf32>
      %mul3A_343 = arith.constant 1.600000e+01 : f32
      %mul3A_344 = vector.broadcast %mul3A_343 : f32 to vector<16xf32>
      %mul3A_345 = arith.mulf %get3A_297, %mul3A_344 : vector<16xf32>
      %add3A_346 = arith.constant 0x4B400000 : f32
      %add3A_347 = vector.broadcast %add3A_346 : f32 to vector<16xf32>
      %add3A_348 = arith.addf %mul3A_345, %add3A_347 : vector<16xf32>
      %sub3A_349 = arith.constant 0x4B400000 : f32
      %sub3A_350 = vector.broadcast %sub3A_349 : f32 to vector<16xf32>
      %sub3A_351 = arith.subf %add3A_348, %sub3A_350 : vector<16xf32>
      %jit3A_352 = arith.constant 0.000000e+00 : f32
      %jit3A_353 = arith.constant 1.500000e+01 : f32
      %max3A_354 = vector.broadcast %jit3A_352 : f32 to vector<16xf32>
      %max3A_355 = arith.maximumf %max3A_354, %sub3A_351 : vector<16xf32>
      %min3A_356 = vector.broadcast %jit3A_353 : f32 to vector<16xf32>
      %min3A_357 = arith.minimumf %min3A_356, %max3A_355 : vector<16xf32>
      %mul3A_358 = arith.constant 6.553600e+04 : f32
      %mul3A_359 = vector.broadcast %mul3A_358 : f32 to vector<16xf32>
      %mul3A_360 = arith.mulf %min3A_312, %mul3A_359 : vector<16xf32>
      %mul3A_361 = arith.constant 4.096000e+03 : f32
      %mul3A_362 = vector.broadcast %mul3A_361 : f32 to vector<16xf32>
      %mul3A_363 = arith.mulf %min3A_342, %mul3A_362 : vector<16xf32>
      %add3A_364 = arith.addf %mul3A_360, %mul3A_363 : vector<16xf32>
      %mul3A_365 = arith.constant 2.560000e+02 : f32
      %mul3A_366 = vector.broadcast %mul3A_365 : f32 to vector<16xf32>
      %mul3A_367 = arith.mulf %min3A_357, %mul3A_366 : vector<16xf32>
      %add3A_368 = arith.addf %add3A_364, %mul3A_367 : vector<16xf32>
      %add3A_369 = arith.addf %add3A_368, %min3A_327 : vector<16xf32>
      %convert_element_type3A_370 = arith.fptosi %add3A_369 : vector<16xf32> to vector<16xi32>
      %mul3A_371 = arith.constant 128 : i32
      %mul3A_372 = arith.muli %shift_right_arithmetic3A_177, %mul3A_371 : i32
      %mul3A_373 = arith.constant 16 : i32
      %mul3A_374 = arith.muli %add3A_278, %mul3A_373 : i32
      %add3A_375 = arith.addi %mul3A_372, %mul3A_374 : i32
      %dma_start3A_376 = tpu.memref_slice %arg7[%add3A_375] : memref<8192xf32, #tpu.memory_space<vmem>> -> memref<16xf32, #tpu.memory_space<vmem>>
      %dma_start3A_377 = arith.constant 0 : i32
      %dma_start3A_378 = tpu.memref_slice %arg3[%dma_start3A_377] : memref<16777216xf32, #tpu.memory_space<hbm>> -> memref<16777216xf32, #tpu.memory_space<hbm>>
      tpu.enqueue_indirect_dma source(%dma_start3A_378 : memref<16777216xf32, #tpu.memory_space<hbm>>) target(%dma_start3A_376 : memref<16xf32, #tpu.memory_space<vmem>>) offsets(%convert_element_type3A_370 : vector<16xi32>) semaphore(%arg11 : memref<!tpu.dma_semaphore, #tpu.memory_space<semaphore_mem>>)
      %add3A_379 = arith.constant 2 : i32
      %add3A_380 = arith.addi %mul3A_180, %add3A_379 : i32
      %mul3A_381 = arith.constant 512 : i32
      %mul3A_382 = arith.muli %shift_right_arithmetic3A_177, %mul3A_381 : i32
      %mul3A_383 = arith.constant 16 : i32
      %mul3A_384 = arith.muli %add3A_380, %mul3A_383 : i32
      %add3A_385 = arith.addi %mul3A_382, %mul3A_384 : i32
      %get3A_386 = arith.index_cast %add3A_385 : i32 to index
      %get3A_387 = tpu.vector_load %arg5[%get3A_386] {strides = array<i32>} : memref<32768xf32, #tpu.memory_space<vmem>>, vector<16xf32>,
      %add3A_388 = arith.constant 128 : i32
      %add3A_389 = arith.addi %add3A_385, %add3A_388 : i32
      %get3A_390 = arith.index_cast %add3A_389 : i32 to index
      %get3A_391 = tpu.vector_load %arg5[%get3A_390] {strides = array<i32>} : memref<32768xf32, #tpu.memory_space<vmem>>, vector<16xf32>,
      %add3A_392 = arith.constant 256 : i32
      %add3A_393 = arith.addi %add3A_385, %add3A_392 : i32
      %get3A_394 = arith.index_cast %add3A_393 : i32 to index
      %get3A_395 = tpu.vector_load %arg5[%get3A_394] {strides = array<i32>} : memref<32768xf32, #tpu.memory_space<vmem>>, vector<16xf32>,
      %add3A_396 = arith.constant 384 : i32
      %add3A_397 = arith.addi %add3A_385, %add3A_396 : i32
      %get3A_398 = arith.index_cast %add3A_397 : i32 to index
      %get3A_399 = tpu.vector_load %arg5[%get3A_398] {strides = array<i32>} : memref<32768xf32, #tpu.memory_space<vmem>>, vector<16xf32>,
      %mul3A_400 = arith.constant 2.560000e+02 : f32
      %mul3A_401 = vector.broadcast %mul3A_400 : f32 to vector<16xf32>
      %mul3A_402 = arith.mulf %get3A_387, %mul3A_401 : vector<16xf32>
      %add3A_403 = arith.constant 0x4B400000 : f32
      %add3A_404 = vector.broadcast %add3A_403 : f32 to vector<16xf32>
      %add3A_405 = arith.addf %mul3A_402, %add3A_404 : vector<16xf32>
      %sub3A_406 = arith.constant 0x4B400000 : f32
      %sub3A_407 = vector.broadcast %sub3A_406 : f32 to vector<16xf32>
      %sub3A_408 = arith.subf %add3A_405, %sub3A_407 : vector<16xf32>
      %jit3A_409 = arith.constant 0.000000e+00 : f32
      %jit3A_410 = arith.constant 2.550000e+02 : f32
      %max3A_411 = vector.broadcast %jit3A_409 : f32 to vector<16xf32>
      %max3A_412 = arith.maximumf %max3A_411, %sub3A_408 : vector<16xf32>
      %min3A_413 = vector.broadcast %jit3A_410 : f32 to vector<16xf32>
      %min3A_414 = arith.minimumf %min3A_413, %max3A_412 : vector<16xf32>
      %mul3A_415 = arith.constant 2.560000e+02 : f32
      %mul3A_416 = vector.broadcast %mul3A_415 : f32 to vector<16xf32>
      %mul3A_417 = arith.mulf %get3A_391, %mul3A_416 : vector<16xf32>
      %add3A_418 = arith.constant 0x4B400000 : f32
      %add3A_419 = vector.broadcast %add3A_418 : f32 to vector<16xf32>
      %add3A_420 = arith.addf %mul3A_417, %add3A_419 : vector<16xf32>
      %sub3A_421 = arith.constant 0x4B400000 : f32
      %sub3A_422 = vector.broadcast %sub3A_421 : f32 to vector<16xf32>
      %sub3A_423 = arith.subf %add3A_420, %sub3A_422 : vector<16xf32>
      %jit3A_424 = arith.constant 0.000000e+00 : f32
      %jit3A_425 = arith.constant 2.550000e+02 : f32
      %max3A_426 = vector.broadcast %jit3A_424 : f32 to vector<16xf32>
      %max3A_427 = arith.maximumf %max3A_426, %sub3A_423 : vector<16xf32>
      %min3A_428 = vector.broadcast %jit3A_425 : f32 to vector<16xf32>
      %min3A_429 = arith.minimumf %min3A_428, %max3A_427 : vector<16xf32>
      %mul3A_430 = arith.constant 1.600000e+01 : f32
      %mul3A_431 = vector.broadcast %mul3A_430 : f32 to vector<16xf32>
      %mul3A_432 = arith.mulf %get3A_395, %mul3A_431 : vector<16xf32>
      %add3A_433 = arith.constant 0x4B400000 : f32
      %add3A_434 = vector.broadcast %add3A_433 : f32 to vector<16xf32>
      %add3A_435 = arith.addf %mul3A_432, %add3A_434 : vector<16xf32>
      %sub3A_436 = arith.constant 0x4B400000 : f32
      %sub3A_437 = vector.broadcast %sub3A_436 : f32 to vector<16xf32>
      %sub3A_438 = arith.subf %add3A_435, %sub3A_437 : vector<16xf32>
      %jit3A_439 = arith.constant 0.000000e+00 : f32
      %jit3A_440 = arith.constant 1.500000e+01 : f32
      %max3A_441 = vector.broadcast %jit3A_439 : f32 to vector<16xf32>
      %max3A_442 = arith.maximumf %max3A_441, %sub3A_438 : vector<16xf32>
      %min3A_443 = vector.broadcast %jit3A_440 : f32 to vector<16xf32>
      %min3A_444 = arith.minimumf %min3A_443, %max3A_442 : vector<16xf32>
      %mul3A_445 = arith.constant 1.600000e+01 : f32
      %mul3A_446 = vector.broadcast %mul3A_445 : f32 to vector<16xf32>
      %mul3A_447 = arith.mulf %get3A_399, %mul3A_446 : vector<16xf32>
      %add3A_448 = arith.constant 0x4B400000 : f32
      %add3A_449 = vector.broadcast %add3A_448 : f32 to vector<16xf32>
      %add3A_450 = arith.addf %mul3A_447, %add3A_449 : vector<16xf32>
      %sub3A_451 = arith.constant 0x4B400000 : f32
      %sub3A_452 = vector.broadcast %sub3A_451 : f32 to vector<16xf32>
      %sub3A_453 = arith.subf %add3A_450, %sub3A_452 : vector<16xf32>
      %jit3A_454 = arith.constant 0.000000e+00 : f32
      %jit3A_455 = arith.constant 1.500000e+01 : f32
      %max3A_456 = vector.broadcast %jit3A_454 : f32 to vector<16xf32>
      %max3A_457 = arith.maximumf %max3A_456, %sub3A_453 : vector<16xf32>
      %min3A_458 = vector.broadcast %jit3A_455 : f32 to vector<16xf32>
      %min3A_459 = arith.minimumf %min3A_458, %max3A_457 : vector<16xf32>
      %mul3A_460 = arith.constant 6.553600e+04 : f32
      %mul3A_461 = vector.broadcast %mul3A_460 : f32 to vector<16xf32>
      %mul3A_462 = arith.mulf %min3A_414, %mul3A_461 : vector<16xf32>
      %mul3A_463 = arith.constant 4.096000e+03 : f32
      %mul3A_464 = vector.broadcast %mul3A_463 : f32 to vector<16xf32>
      %mul3A_465 = arith.mulf %min3A_444, %mul3A_464 : vector<16xf32>
      %add3A_466 = arith.addf %mul3A_462, %mul3A_465 : vector<16xf32>
      %mul3A_467 = arith.constant 2.560000e+02 : f32
      %mul3A_468 = vector.broadcast %mul3A_467 : f32 to vector<16xf32>
      %mul3A_469 = arith.mulf %min3A_459, %mul3A_468 : vector<16xf32>
      %add3A_470 = arith.addf %add3A_466, %mul3A_469 : vector<16xf32>
      %add3A_471 = arith.addf %add3A_470, %min3A_429 : vector<16xf32>
      %convert_element_type3A_472 = arith.fptosi %add3A_471 : vector<16xf32> to vector<16xi32>
      %mul3A_473 = arith.constant 128 : i32
      %mul3A_474 = arith.muli %shift_right_arithmetic3A_177, %mul3A_473 : i32
      %mul3A_475 = arith.constant 16 : i32
      %mul3A_476 = arith.muli %add3A_380, %mul3A_475 : i32
      %add3A_477 = arith.addi %mul3A_474, %mul3A_476 : i32
      %dma_start3A_478 = tpu.memref_slice %arg7[%add3A_477] : memref<8192xf32, #tpu.memory_space<vmem>> -> memref<16xf32, #tpu.memory_space<vmem>>
      %dma_start3A_479 = arith.constant 0 : i32
      %dma_start3A_480 = tpu.memref_slice %arg3[%dma_start3A_479] : memref<16777216xf32, #tpu.memory_space<hbm>> -> memref<16777216xf32, #tpu.memory_space<hbm>>
      tpu.enqueue_indirect_dma source(%dma_start3A_480 : memref<16777216xf32, #tpu.memory_space<hbm>>) target(%dma_start3A_478 : memref<16xf32, #tpu.memory_space<vmem>>) offsets(%convert_element_type3A_472 : vector<16xi32>) semaphore(%arg11 : memref<!tpu.dma_semaphore, #tpu.memory_space<semaphore_mem>>)
      %add3A_481 = arith.constant 3 : i32
      %add3A_482 = arith.addi %mul3A_180, %add3A_481 : i32
      %mul3A_483 = arith.constant 512 : i32
      %mul3A_484 = arith.muli %shift_right_arithmetic3A_177, %mul3A_483 : i32
      %mul3A_485 = arith.constant 16 : i32
      %mul3A_486 = arith.muli %add3A_482, %mul3A_485 : i32
      %add3A_487 = arith.addi %mul3A_484, %mul3A_486 : i32
      %get3A_488 = arith.index_cast %add3A_487 : i32 to index
      %get3A_489 = tpu.vector_load %arg5[%get3A_488] {strides = array<i32>} : memref<32768xf32, #tpu.memory_space<vmem>>, vector<16xf32>,
      %add3A_490 = arith.constant 128 : i32
      %add3A_491 = arith.addi %add3A_487, %add3A_490 : i32
      %get3A_492 = arith.index_cast %add3A_491 : i32 to index
      %get3A_493 = tpu.vector_load %arg5[%get3A_492] {strides = array<i32>} : memref<32768xf32, #tpu.memory_space<vmem>>, vector<16xf32>,
      %add3A_494 = arith.constant 256 : i32
      %add3A_495 = arith.addi %add3A_487, %add3A_494 : i32
      %get3A_496 = arith.index_cast %add3A_495 : i32 to index
      %get3A_497 = tpu.vector_load %arg5[%get3A_496] {strides = array<i32>} : memref<32768xf32, #tpu.memory_space<vmem>>, vector<16xf32>,
      %add3A_498 = arith.constant 384 : i32
      %add3A_499 = arith.addi %add3A_487, %add3A_498 : i32
      %get3A_500 = arith.index_cast %add3A_499 : i32 to index
      %get3A_501 = tpu.vector_load %arg5[%get3A_500] {strides = array<i32>} : memref<32768xf32, #tpu.memory_space<vmem>>, vector<16xf32>,
      %mul3A_502 = arith.constant 2.560000e+02 : f32
      %mul3A_503 = vector.broadcast %mul3A_502 : f32 to vector<16xf32>
      %mul3A_504 = arith.mulf %get3A_489, %mul3A_503 : vector<16xf32>
      %add3A_505 = arith.constant 0x4B400000 : f32
      %add3A_506 = vector.broadcast %add3A_505 : f32 to vector<16xf32>
      %add3A_507 = arith.addf %mul3A_504, %add3A_506 : vector<16xf32>
      %sub3A_508 = arith.constant 0x4B400000 : f32
      %sub3A_509 = vector.broadcast %sub3A_508 : f32 to vector<16xf32>
      %sub3A_510 = arith.subf %add3A_507, %sub3A_509 : vector<16xf32>
      %jit3A_511 = arith.constant 0.000000e+00 : f32
      %jit3A_512 = arith.constant 2.550000e+02 : f32
      %max3A_513 = vector.broadcast %jit3A_511 : f32 to vector<16xf32>
      %max3A_514 = arith.maximumf %max3A_513, %sub3A_510 : vector<16xf32>
      %min3A_515 = vector.broadcast %jit3A_512 : f32 to vector<16xf32>
      %min3A_516 = arith.minimumf %min3A_515, %max3A_514 : vector<16xf32>
      %mul3A_517 = arith.constant 2.560000e+02 : f32
      %mul3A_518 = vector.broadcast %mul3A_517 : f32 to vector<16xf32>
      %mul3A_519 = arith.mulf %get3A_493, %mul3A_518 : vector<16xf32>
      %add3A_520 = arith.constant 0x4B400000 : f32
      %add3A_521 = vector.broadcast %add3A_520 : f32 to vector<16xf32>
      %add3A_522 = arith.addf %mul3A_519, %add3A_521 : vector<16xf32>
      %sub3A_523 = arith.constant 0x4B400000 : f32
      %sub3A_524 = vector.broadcast %sub3A_523 : f32 to vector<16xf32>
      %sub3A_525 = arith.subf %add3A_522, %sub3A_524 : vector<16xf32>
      %jit3A_526 = arith.constant 0.000000e+00 : f32
      %jit3A_527 = arith.constant 2.550000e+02 : f32
      %max3A_528 = vector.broadcast %jit3A_526 : f32 to vector<16xf32>
      %max3A_529 = arith.maximumf %max3A_528, %sub3A_525 : vector<16xf32>
      %min3A_530 = vector.broadcast %jit3A_527 : f32 to vector<16xf32>
      %min3A_531 = arith.minimumf %min3A_530, %max3A_529 : vector<16xf32>
      %mul3A_532 = arith.constant 1.600000e+01 : f32
      %mul3A_533 = vector.broadcast %mul3A_532 : f32 to vector<16xf32>
      %mul3A_534 = arith.mulf %get3A_497, %mul3A_533 : vector<16xf32>
      %add3A_535 = arith.constant 0x4B400000 : f32
      %add3A_536 = vector.broadcast %add3A_535 : f32 to vector<16xf32>
      %add3A_537 = arith.addf %mul3A_534, %add3A_536 : vector<16xf32>
      %sub3A_538 = arith.constant 0x4B400000 : f32
      %sub3A_539 = vector.broadcast %sub3A_538 : f32 to vector<16xf32>
      %sub3A_540 = arith.subf %add3A_537, %sub3A_539 : vector<16xf32>
      %jit3A_541 = arith.constant 0.000000e+00 : f32
      %jit3A_542 = arith.constant 1.500000e+01 : f32
      %max3A_543 = vector.broadcast %jit3A_541 : f32 to vector<16xf32>
      %max3A_544 = arith.maximumf %max3A_543, %sub3A_540 : vector<16xf32>
      %min3A_545 = vector.broadcast %jit3A_542 : f32 to vector<16xf32>
      %min3A_546 = arith.minimumf %min3A_545, %max3A_544 : vector<16xf32>
      %mul3A_547 = arith.constant 1.600000e+01 : f32
      %mul3A_548 = vector.broadcast %mul3A_547 : f32 to vector<16xf32>
      %mul3A_549 = arith.mulf %get3A_501, %mul3A_548 : vector<16xf32>
      %add3A_550 = arith.constant 0x4B400000 : f32
      %add3A_551 = vector.broadcast %add3A_550 : f32 to vector<16xf32>
      %add3A_552 = arith.addf %mul3A_549, %add3A_551 : vector<16xf32>
      %sub3A_553 = arith.constant 0x4B400000 : f32
      %sub3A_554 = vector.broadcast %sub3A_553 : f32 to vector<16xf32>
      %sub3A_555 = arith.subf %add3A_552, %sub3A_554 : vector<16xf32>
      %jit3A_556 = arith.constant 0.000000e+00 : f32
      %jit3A_557 = arith.constant 1.500000e+01 : f32
      %max3A_558 = vector.broadcast %jit3A_556 : f32 to vector<16xf32>
      %max3A_559 = arith.maximumf %max3A_558, %sub3A_555 : vector<16xf32>
      %min3A_560 = vector.broadcast %jit3A_557 : f32 to vector<16xf32>
      %min3A_561 = arith.minimumf %min3A_560, %max3A_559 : vector<16xf32>
      %mul3A_562 = arith.constant 6.553600e+04 : f32
      %mul3A_563 = vector.broadcast %mul3A_562 : f32 to vector<16xf32>
      %mul3A_564 = arith.mulf %min3A_516, %mul3A_563 : vector<16xf32>
      %mul3A_565 = arith.constant 4.096000e+03 : f32
      %mul3A_566 = vector.broadcast %mul3A_565 : f32 to vector<16xf32>
      %mul3A_567 = arith.mulf %min3A_546, %mul3A_566 : vector<16xf32>
      %add3A_568 = arith.addf %mul3A_564, %mul3A_567 : vector<16xf32>
      %mul3A_569 = arith.constant 2.560000e+02 : f32
      %mul3A_570 = vector.broadcast %mul3A_569 : f32 to vector<16xf32>
      %mul3A_571 = arith.mulf %min3A_561, %mul3A_570 : vector<16xf32>
      %add3A_572 = arith.addf %add3A_568, %mul3A_571 : vector<16xf32>
      %add3A_573 = arith.addf %add3A_572, %min3A_531 : vector<16xf32>
      %convert_element_type3A_574 = arith.fptosi %add3A_573 : vector<16xf32> to vector<16xi32>
      %mul3A_575 = arith.constant 128 : i32
      %mul3A_576 = arith.muli %shift_right_arithmetic3A_177, %mul3A_575 : i32
      %mul3A_577 = arith.constant 16 : i32
      %mul3A_578 = arith.muli %add3A_482, %mul3A_577 : i32
      %add3A_579 = arith.addi %mul3A_576, %mul3A_578 : i32
      %dma_start3A_580 = tpu.memref_slice %arg7[%add3A_579] : memref<8192xf32, #tpu.memory_space<vmem>> -> memref<16xf32, #tpu.memory_space<vmem>>
      %dma_start3A_581 = arith.constant 0 : i32
      %dma_start3A_582 = tpu.memref_slice %arg3[%dma_start3A_581] : memref<16777216xf32, #tpu.memory_space<hbm>> -> memref<16777216xf32, #tpu.memory_space<hbm>>
      tpu.enqueue_indirect_dma source(%dma_start3A_582 : memref<16777216xf32, #tpu.memory_space<hbm>>) target(%dma_start3A_580 : memref<16xf32, #tpu.memory_space<vmem>>) offsets(%convert_element_type3A_574 : vector<16xi32>) semaphore(%arg11 : memref<!tpu.dma_semaphore, #tpu.memory_space<semaphore_mem>>)
    }
    %scan3A_97 = arith.constant 128 : i32
    %dma_wait3A_98 = arith.constant 0 : i32
    %dma_wait3A_99 = tpu.memref_slice %arg8[%dma_wait3A_98] : memref<8192xf32, #tpu.memory_space<vmem>> -> memref<8192xf32, #tpu.memory_space<vmem>>
    %dma_wait3A_100 = arith.constant 0 : i32
    %dma_wait3A_101 = tpu.memref_slice %arg3[%dma_wait3A_100] : memref<16777216xf32, #tpu.memory_space<hbm>> -> memref<8192xf32, #tpu.memory_space<hbm>>
    %dma_wait3A_102 = arith.constant 0 : i32
    %dma_wait3A_103 = tpu.memref_slice %arg8[%dma_wait3A_102] : memref<8192xf32, #tpu.memory_space<vmem>> -> memref<8192xf32, #tpu.memory_space<vmem>>
    %dma_wait3A_104 = arith.constant 0 : i32
    %dma_wait3A_105 = tpu.memref_slice %arg3[%dma_wait3A_104] : memref<16777216xf32, #tpu.memory_space<hbm>> -> memref<8192xf32, #tpu.memory_space<hbm>>
    tpu.wait_dma2 semaphore(%arg12 : memref<!tpu.dma_semaphore, #tpu.memory_space<semaphore_mem>>) src(%dma_wait3A_105 : memref<8192xf32, #tpu.memory_space<hbm>>) dst(%dma_wait3A_103 : memref<8192xf32, #tpu.memory_space<vmem>>)
    %add3A_106 = arith.constant 8192 : i32
    %add3A_107 = arith.addi %multiple_of3A, %add3A_106 : i32
    %dma_start3A_108 = arith.constant 0 : i32
    %dma_start3A_109 = tpu.memref_slice %arg8[%dma_start3A_108] : memref<8192xf32, #tpu.memory_space<vmem>> -> memref<8192xf32, #tpu.memory_space<vmem>>
    %dma_start3A_110 = tpu.memref_slice %arg4[%add3A_107] : memref<1048576xf32, #tpu.memory_space<hbm>> -> memref<8192xf32, #tpu.memory_space<hbm>>
    %dma_start3A_111 = tpu.memref_slice %arg4[%add3A_107] : memref<1048576xf32, #tpu.memory_space<hbm>> -> memref<8192xf32, #tpu.memory_space<hbm>>
    %dma_start3A_112 = arith.constant 0 : i32
    %dma_start3A_113 = tpu.memref_slice %arg8[%dma_start3A_112] : memref<8192xf32, #tpu.memory_space<vmem>> -> memref<8192xf32, #tpu.memory_space<vmem>>
    tpu.enqueue_dma source(%dma_start3A_113 : memref<8192xf32, #tpu.memory_space<vmem>>) target(%dma_start3A_111 : memref<8192xf32, #tpu.memory_space<hbm>>) target_semaphore(%arg14 : memref<!tpu.dma_semaphore, #tpu.memory_space<semaphore_mem>>)
    %dma_wait3A_114 = arith.constant 0 : i32
    %dma_wait3A_115 = tpu.memref_slice %arg6[%dma_wait3A_114] : memref<32768xf32, #tpu.memory_space<vmem>> -> memref<32768xf32, #tpu.memory_space<vmem>>
    %dma_wait3A_116 = tpu.memref_slice %arg2[%mul3A_57] : memref<4194304xf32, #tpu.memory_space<hbm>> -> memref<32768xf32, #tpu.memory_space<hbm>>
    %dma_wait3A_117 = arith.constant 0 : i32
    %dma_wait3A_118 = tpu.memref_slice %arg6[%dma_wait3A_117] : memref<32768xf32, #tpu.memory_space<vmem>> -> memref<32768xf32, #tpu.memory_space<vmem>>
    %dma_wait3A_119 = tpu.memref_slice %arg2[%mul3A_57] : memref<4194304xf32, #tpu.memory_space<hbm>> -> memref<32768xf32, #tpu.memory_space<hbm>>
    tpu.wait_dma2 semaphore(%arg10 : memref<!tpu.dma_semaphore, #tpu.memory_space<semaphore_mem>>) src(%dma_wait3A_119 : memref<32768xf32, #tpu.memory_space<hbm>>) dst(%dma_wait3A_118 : memref<32768xf32, #tpu.memory_space<vmem>>)
    %dma_wait3A_120 = arith.constant 0 : i32
    %dma_wait3A_121 = tpu.memref_slice %arg8[%dma_wait3A_120] : memref<8192xf32, #tpu.memory_space<vmem>> -> memref<8192xf32, #tpu.memory_space<vmem>>
    %dma_wait3A_122 = tpu.memref_slice %arg4[%add3A_107] : memref<1048576xf32, #tpu.memory_space<hbm>> -> memref<8192xf32, #tpu.memory_space<hbm>>
    %dma_wait3A_123 = tpu.memref_slice %arg4[%add3A_107] : memref<1048576xf32, #tpu.memory_space<hbm>> -> memref<8192xf32, #tpu.memory_space<hbm>>
    %dma_wait3A_124 = arith.constant 0 : i32
    %dma_wait3A_125 = tpu.memref_slice %arg8[%dma_wait3A_124] : memref<8192xf32, #tpu.memory_space<vmem>> -> memref<8192xf32, #tpu.memory_space<vmem>>
    tpu.wait_dma2 semaphore(%arg14 : memref<!tpu.dma_semaphore, #tpu.memory_space<semaphore_mem>>) src(%dma_wait3A_125 : memref<8192xf32, #tpu.memory_space<vmem>>) dst(%dma_wait3A_123 : memref<8192xf32, #tpu.memory_space<hbm>>)
    %scan3A_126 = arith.constant 0 : i32
    %scan3A_127 = arith.constant 0 : i32
    %scan3A_128 = arith.constant 128 : i32
    %scan3A_129 = arith.addi %scan3A_127, %scan3A_128 : i32
    %scan3A_130 = arith.constant 1 : i32
    scf.for %scan3A_176 = %scan3A_127 to %scan3A_129 step %scan3A_130  : i32 {
      %shift_right_arithmetic3A = arith.constant 1 : i32
      %shift_right_arithmetic3A_177 = arith.shrsi %scan3A_176, %shift_right_arithmetic3A : i32
      %and3A = arith.constant 1 : i32
      %and3A_178 = arith.andi %scan3A_176, %and3A : i32
      %mul3A_179 = arith.constant 4 : i32
      %mul3A_180 = arith.muli %and3A_178, %mul3A_179 : i32
      %add3A_181 = arith.constant 0 : i32
      %add3A_182 = arith.addi %mul3A_180, %add3A_181 : i32
      %mul3A_183 = arith.constant 512 : i32
      %mul3A_184 = arith.muli %shift_right_arithmetic3A_177, %mul3A_183 : i32
      %mul3A_185 = arith.constant 16 : i32
      %mul3A_186 = arith.muli %add3A_182, %mul3A_185 : i32
      %add3A_187 = arith.addi %mul3A_184, %mul3A_186 : i32
      %get3A = arith.index_cast %add3A_187 : i32 to index
      %get3A_188 = tpu.vector_load %arg6[%get3A] {strides = array<i32>} : memref<32768xf32, #tpu.memory_space<vmem>>, vector<16xf32>,
      %add3A_189 = arith.constant 128 : i32
      %add3A_190 = arith.addi %add3A_187, %add3A_189 : i32
      %get3A_191 = arith.index_cast %add3A_190 : i32 to index
      %get3A_192 = tpu.vector_load %arg6[%get3A_191] {strides = array<i32>} : memref<32768xf32, #tpu.memory_space<vmem>>, vector<16xf32>,
      %add3A_193 = arith.constant 256 : i32
      %add3A_194 = arith.addi %add3A_187, %add3A_193 : i32
      %get3A_195 = arith.index_cast %add3A_194 : i32 to index
      %get3A_196 = tpu.vector_load %arg6[%get3A_195] {strides = array<i32>} : memref<32768xf32, #tpu.memory_space<vmem>>, vector<16xf32>,
      %add3A_197 = arith.constant 384 : i32
      %add3A_198 = arith.addi %add3A_187, %add3A_197 : i32
      %get3A_199 = arith.index_cast %add3A_198 : i32 to index
      %get3A_200 = tpu.vector_load %arg6[%get3A_199] {strides = array<i32>} : memref<32768xf32, #tpu.memory_space<vmem>>, vector<16xf32>,
      %mul3A_201 = arith.constant 2.560000e+02 : f32
      %mul3A_202 = vector.broadcast %mul3A_201 : f32 to vector<16xf32>
      %mul3A_203 = arith.mulf %get3A_188, %mul3A_202 : vector<16xf32>
      %add3A_204 = arith.constant 0x4B400000 : f32
      %add3A_205 = vector.broadcast %add3A_204 : f32 to vector<16xf32>
      %add3A_206 = arith.addf %mul3A_203, %add3A_205 : vector<16xf32>
      %sub3A = arith.constant 0x4B400000 : f32
      %sub3A_207 = vector.broadcast %sub3A : f32 to vector<16xf32>
      %sub3A_208 = arith.subf %add3A_206, %sub3A_207 : vector<16xf32>
      %jit3A = arith.constant 0.000000e+00 : f32
      %jit3A_209 = arith.constant 2.550000e+02 : f32
      %max3A = vector.broadcast %jit3A : f32 to vector<16xf32>
      %max3A_210 = arith.maximumf %max3A, %sub3A_208 : vector<16xf32>
      %min3A = vector.broadcast %jit3A_209 : f32 to vector<16xf32>
      %min3A_211 = arith.minimumf %min3A, %max3A_210 : vector<16xf32>
      %mul3A_212 = arith.constant 2.560000e+02 : f32
      %mul3A_213 = vector.broadcast %mul3A_212 : f32 to vector<16xf32>
      %mul3A_214 = arith.mulf %get3A_192, %mul3A_213 : vector<16xf32>
      %add3A_215 = arith.constant 0x4B400000 : f32
      %add3A_216 = vector.broadcast %add3A_215 : f32 to vector<16xf32>
      %add3A_217 = arith.addf %mul3A_214, %add3A_216 : vector<16xf32>
      %sub3A_218 = arith.constant 0x4B400000 : f32
      %sub3A_219 = vector.broadcast %sub3A_218 : f32 to vector<16xf32>
      %sub3A_220 = arith.subf %add3A_217, %sub3A_219 : vector<16xf32>
      %jit3A_221 = arith.constant 0.000000e+00 : f32
      %jit3A_222 = arith.constant 2.550000e+02 : f32
      %max3A_223 = vector.broadcast %jit3A_221 : f32 to vector<16xf32>
      %max3A_224 = arith.maximumf %max3A_223, %sub3A_220 : vector<16xf32>
      %min3A_225 = vector.broadcast %jit3A_222 : f32 to vector<16xf32>
      %min3A_226 = arith.minimumf %min3A_225, %max3A_224 : vector<16xf32>
      %mul3A_227 = arith.constant 1.600000e+01 : f32
      %mul3A_228 = vector.broadcast %mul3A_227 : f32 to vector<16xf32>
      %mul3A_229 = arith.mulf %get3A_196, %mul3A_228 : vector<16xf32>
      %add3A_230 = arith.constant 0x4B400000 : f32
      %add3A_231 = vector.broadcast %add3A_230 : f32 to vector<16xf32>
      %add3A_232 = arith.addf %mul3A_229, %add3A_231 : vector<16xf32>
      %sub3A_233 = arith.constant 0x4B400000 : f32
      %sub3A_234 = vector.broadcast %sub3A_233 : f32 to vector<16xf32>
      %sub3A_235 = arith.subf %add3A_232, %sub3A_234 : vector<16xf32>
      %jit3A_236 = arith.constant 0.000000e+00 : f32
      %jit3A_237 = arith.constant 1.500000e+01 : f32
      %max3A_238 = vector.broadcast %jit3A_236 : f32 to vector<16xf32>
      %max3A_239 = arith.maximumf %max3A_238, %sub3A_235 : vector<16xf32>
      %min3A_240 = vector.broadcast %jit3A_237 : f32 to vector<16xf32>
      %min3A_241 = arith.minimumf %min3A_240, %max3A_239 : vector<16xf32>
      %mul3A_242 = arith.constant 1.600000e+01 : f32
      %mul3A_243 = vector.broadcast %mul3A_242 : f32 to vector<16xf32>
      %mul3A_244 = arith.mulf %get3A_200, %mul3A_243 : vector<16xf32>
      %add3A_245 = arith.constant 0x4B400000 : f32
      %add3A_246 = vector.broadcast %add3A_245 : f32 to vector<16xf32>
      %add3A_247 = arith.addf %mul3A_244, %add3A_246 : vector<16xf32>
      %sub3A_248 = arith.constant 0x4B400000 : f32
      %sub3A_249 = vector.broadcast %sub3A_248 : f32 to vector<16xf32>
      %sub3A_250 = arith.subf %add3A_247, %sub3A_249 : vector<16xf32>
      %jit3A_251 = arith.constant 0.000000e+00 : f32
      %jit3A_252 = arith.constant 1.500000e+01 : f32
      %max3A_253 = vector.broadcast %jit3A_251 : f32 to vector<16xf32>
      %max3A_254 = arith.maximumf %max3A_253, %sub3A_250 : vector<16xf32>
      %min3A_255 = vector.broadcast %jit3A_252 : f32 to vector<16xf32>
      %min3A_256 = arith.minimumf %min3A_255, %max3A_254 : vector<16xf32>
      %mul3A_257 = arith.constant 6.553600e+04 : f32
      %mul3A_258 = vector.broadcast %mul3A_257 : f32 to vector<16xf32>
      %mul3A_259 = arith.mulf %min3A_211, %mul3A_258 : vector<16xf32>
      %mul3A_260 = arith.constant 4.096000e+03 : f32
      %mul3A_261 = vector.broadcast %mul3A_260 : f32 to vector<16xf32>
      %mul3A_262 = arith.mulf %min3A_241, %mul3A_261 : vector<16xf32>
      %add3A_263 = arith.addf %mul3A_259, %mul3A_262 : vector<16xf32>
      %mul3A_264 = arith.constant 2.560000e+02 : f32
      %mul3A_265 = vector.broadcast %mul3A_264 : f32 to vector<16xf32>
      %mul3A_266 = arith.mulf %min3A_256, %mul3A_265 : vector<16xf32>
      %add3A_267 = arith.addf %add3A_263, %mul3A_266 : vector<16xf32>
      %add3A_268 = arith.addf %add3A_267, %min3A_226 : vector<16xf32>
      %convert_element_type3A = arith.fptosi %add3A_268 : vector<16xf32> to vector<16xi32>
      %mul3A_269 = arith.constant 128 : i32
      %mul3A_270 = arith.muli %shift_right_arithmetic3A_177, %mul3A_269 : i32
      %mul3A_271 = arith.constant 16 : i32
      %mul3A_272 = arith.muli %add3A_182, %mul3A_271 : i32
      %add3A_273 = arith.addi %mul3A_270, %mul3A_272 : i32
      %dma_start3A_274 = tpu.memref_slice %arg8[%add3A_273] : memref<8192xf32, #tpu.memory_space<vmem>> -> memref<16xf32, #tpu.memory_space<vmem>>
      %dma_start3A_275 = arith.constant 0 : i32
      %dma_start3A_276 = tpu.memref_slice %arg3[%dma_start3A_275] : memref<16777216xf32, #tpu.memory_space<hbm>> -> memref<16777216xf32, #tpu.memory_space<hbm>>
      tpu.enqueue_indirect_dma source(%dma_start3A_276 : memref<16777216xf32, #tpu.memory_space<hbm>>) target(%dma_start3A_274 : memref<16xf32, #tpu.memory_space<vmem>>) offsets(%convert_element_type3A : vector<16xi32>) semaphore(%arg12 : memref<!tpu.dma_semaphore, #tpu.memory_space<semaphore_mem>>)
      %add3A_277 = arith.constant 1 : i32
      %add3A_278 = arith.addi %mul3A_180, %add3A_277 : i32
      %mul3A_279 = arith.constant 512 : i32
      %mul3A_280 = arith.muli %shift_right_arithmetic3A_177, %mul3A_279 : i32
      %mul3A_281 = arith.constant 16 : i32
      %mul3A_282 = arith.muli %add3A_278, %mul3A_281 : i32
      %add3A_283 = arith.addi %mul3A_280, %mul3A_282 : i32
      %get3A_284 = arith.index_cast %add3A_283 : i32 to index
      %get3A_285 = tpu.vector_load %arg6[%get3A_284] {strides = array<i32>} : memref<32768xf32, #tpu.memory_space<vmem>>, vector<16xf32>,
      %add3A_286 = arith.constant 128 : i32
      %add3A_287 = arith.addi %add3A_283, %add3A_286 : i32
      %get3A_288 = arith.index_cast %add3A_287 : i32 to index
      %get3A_289 = tpu.vector_load %arg6[%get3A_288] {strides = array<i32>} : memref<32768xf32, #tpu.memory_space<vmem>>, vector<16xf32>,
      %add3A_290 = arith.constant 256 : i32
      %add3A_291 = arith.addi %add3A_283, %add3A_290 : i32
      %get3A_292 = arith.index_cast %add3A_291 : i32 to index
      %get3A_293 = tpu.vector_load %arg6[%get3A_292] {strides = array<i32>} : memref<32768xf32, #tpu.memory_space<vmem>>, vector<16xf32>,
      %add3A_294 = arith.constant 384 : i32
      %add3A_295 = arith.addi %add3A_283, %add3A_294 : i32
      %get3A_296 = arith.index_cast %add3A_295 : i32 to index
      %get3A_297 = tpu.vector_load %arg6[%get3A_296] {strides = array<i32>} : memref<32768xf32, #tpu.memory_space<vmem>>, vector<16xf32>,
      %mul3A_298 = arith.constant 2.560000e+02 : f32
      %mul3A_299 = vector.broadcast %mul3A_298 : f32 to vector<16xf32>
      %mul3A_300 = arith.mulf %get3A_285, %mul3A_299 : vector<16xf32>
      %add3A_301 = arith.constant 0x4B400000 : f32
      %add3A_302 = vector.broadcast %add3A_301 : f32 to vector<16xf32>
      %add3A_303 = arith.addf %mul3A_300, %add3A_302 : vector<16xf32>
      %sub3A_304 = arith.constant 0x4B400000 : f32
      %sub3A_305 = vector.broadcast %sub3A_304 : f32 to vector<16xf32>
      %sub3A_306 = arith.subf %add3A_303, %sub3A_305 : vector<16xf32>
      %jit3A_307 = arith.constant 0.000000e+00 : f32
      %jit3A_308 = arith.constant 2.550000e+02 : f32
      %max3A_309 = vector.broadcast %jit3A_307 : f32 to vector<16xf32>
      %max3A_310 = arith.maximumf %max3A_309, %sub3A_306 : vector<16xf32>
      %min3A_311 = vector.broadcast %jit3A_308 : f32 to vector<16xf32>
      %min3A_312 = arith.minimumf %min3A_311, %max3A_310 : vector<16xf32>
      %mul3A_313 = arith.constant 2.560000e+02 : f32
      %mul3A_314 = vector.broadcast %mul3A_313 : f32 to vector<16xf32>
      %mul3A_315 = arith.mulf %get3A_289, %mul3A_314 : vector<16xf32>
      %add3A_316 = arith.constant 0x4B400000 : f32
      %add3A_317 = vector.broadcast %add3A_316 : f32 to vector<16xf32>
      %add3A_318 = arith.addf %mul3A_315, %add3A_317 : vector<16xf32>
      %sub3A_319 = arith.constant 0x4B400000 : f32
      %sub3A_320 = vector.broadcast %sub3A_319 : f32 to vector<16xf32>
      %sub3A_321 = arith.subf %add3A_318, %sub3A_320 : vector<16xf32>
      %jit3A_322 = arith.constant 0.000000e+00 : f32
      %jit3A_323 = arith.constant 2.550000e+02 : f32
      %max3A_324 = vector.broadcast %jit3A_322 : f32 to vector<16xf32>
      %max3A_325 = arith.maximumf %max3A_324, %sub3A_321 : vector<16xf32>
      %min3A_326 = vector.broadcast %jit3A_323 : f32 to vector<16xf32>
      %min3A_327 = arith.minimumf %min3A_326, %max3A_325 : vector<16xf32>
      %mul3A_328 = arith.constant 1.600000e+01 : f32
      %mul3A_329 = vector.broadcast %mul3A_328 : f32 to vector<16xf32>
      %mul3A_330 = arith.mulf %get3A_293, %mul3A_329 : vector<16xf32>
      %add3A_331 = arith.constant 0x4B400000 : f32
      %add3A_332 = vector.broadcast %add3A_331 : f32 to vector<16xf32>
      %add3A_333 = arith.addf %mul3A_330, %add3A_332 : vector<16xf32>
      %sub3A_334 = arith.constant 0x4B400000 : f32
      %sub3A_335 = vector.broadcast %sub3A_334 : f32 to vector<16xf32>
      %sub3A_336 = arith.subf %add3A_333, %sub3A_335 : vector<16xf32>
      %jit3A_337 = arith.constant 0.000000e+00 : f32
      %jit3A_338 = arith.constant 1.500000e+01 : f32
      %max3A_339 = vector.broadcast %jit3A_337 : f32 to vector<16xf32>
      %max3A_340 = arith.maximumf %max3A_339, %sub3A_336 : vector<16xf32>
      %min3A_341 = vector.broadcast %jit3A_338 : f32 to vector<16xf32>
      %min3A_342 = arith.minimumf %min3A_341, %max3A_340 : vector<16xf32>
      %mul3A_343 = arith.constant 1.600000e+01 : f32
      %mul3A_344 = vector.broadcast %mul3A_343 : f32 to vector<16xf32>
      %mul3A_345 = arith.mulf %get3A_297, %mul3A_344 : vector<16xf32>
      %add3A_346 = arith.constant 0x4B400000 : f32
      %add3A_347 = vector.broadcast %add3A_346 : f32 to vector<16xf32>
      %add3A_348 = arith.addf %mul3A_345, %add3A_347 : vector<16xf32>
      %sub3A_349 = arith.constant 0x4B400000 : f32
      %sub3A_350 = vector.broadcast %sub3A_349 : f32 to vector<16xf32>
      %sub3A_351 = arith.subf %add3A_348, %sub3A_350 : vector<16xf32>
      %jit3A_352 = arith.constant 0.000000e+00 : f32
      %jit3A_353 = arith.constant 1.500000e+01 : f32
      %max3A_354 = vector.broadcast %jit3A_352 : f32 to vector<16xf32>
      %max3A_355 = arith.maximumf %max3A_354, %sub3A_351 : vector<16xf32>
      %min3A_356 = vector.broadcast %jit3A_353 : f32 to vector<16xf32>
      %min3A_357 = arith.minimumf %min3A_356, %max3A_355 : vector<16xf32>
      %mul3A_358 = arith.constant 6.553600e+04 : f32
      %mul3A_359 = vector.broadcast %mul3A_358 : f32 to vector<16xf32>
      %mul3A_360 = arith.mulf %min3A_312, %mul3A_359 : vector<16xf32>
      %mul3A_361 = arith.constant 4.096000e+03 : f32
      %mul3A_362 = vector.broadcast %mul3A_361 : f32 to vector<16xf32>
      %mul3A_363 = arith.mulf %min3A_342, %mul3A_362 : vector<16xf32>
      %add3A_364 = arith.addf %mul3A_360, %mul3A_363 : vector<16xf32>
      %mul3A_365 = arith.constant 2.560000e+02 : f32
      %mul3A_366 = vector.broadcast %mul3A_365 : f32 to vector<16xf32>
      %mul3A_367 = arith.mulf %min3A_357, %mul3A_366 : vector<16xf32>
      %add3A_368 = arith.addf %add3A_364, %mul3A_367 : vector<16xf32>
      %add3A_369 = arith.addf %add3A_368, %min3A_327 : vector<16xf32>
      %convert_element_type3A_370 = arith.fptosi %add3A_369 : vector<16xf32> to vector<16xi32>
      %mul3A_371 = arith.constant 128 : i32
      %mul3A_372 = arith.muli %shift_right_arithmetic3A_177, %mul3A_371 : i32
      %mul3A_373 = arith.constant 16 : i32
      %mul3A_374 = arith.muli %add3A_278, %mul3A_373 : i32
      %add3A_375 = arith.addi %mul3A_372, %mul3A_374 : i32
      %dma_start3A_376 = tpu.memref_slice %arg8[%add3A_375] : memref<8192xf32, #tpu.memory_space<vmem>> -> memref<16xf32, #tpu.memory_space<vmem>>
      %dma_start3A_377 = arith.constant 0 : i32
      %dma_start3A_378 = tpu.memref_slice %arg3[%dma_start3A_377] : memref<16777216xf32, #tpu.memory_space<hbm>> -> memref<16777216xf32, #tpu.memory_space<hbm>>
      tpu.enqueue_indirect_dma source(%dma_start3A_378 : memref<16777216xf32, #tpu.memory_space<hbm>>) target(%dma_start3A_376 : memref<16xf32, #tpu.memory_space<vmem>>) offsets(%convert_element_type3A_370 : vector<16xi32>) semaphore(%arg12 : memref<!tpu.dma_semaphore, #tpu.memory_space<semaphore_mem>>)
      %add3A_379 = arith.constant 2 : i32
      %add3A_380 = arith.addi %mul3A_180, %add3A_379 : i32
      %mul3A_381 = arith.constant 512 : i32
      %mul3A_382 = arith.muli %shift_right_arithmetic3A_177, %mul3A_381 : i32
      %mul3A_383 = arith.constant 16 : i32
      %mul3A_384 = arith.muli %add3A_380, %mul3A_383 : i32
      %add3A_385 = arith.addi %mul3A_382, %mul3A_384 : i32
      %get3A_386 = arith.index_cast %add3A_385 : i32 to index
      %get3A_387 = tpu.vector_load %arg6[%get3A_386] {strides = array<i32>} : memref<32768xf32, #tpu.memory_space<vmem>>, vector<16xf32>,
      %add3A_388 = arith.constant 128 : i32
      %add3A_389 = arith.addi %add3A_385, %add3A_388 : i32
      %get3A_390 = arith.index_cast %add3A_389 : i32 to index
      %get3A_391 = tpu.vector_load %arg6[%get3A_390] {strides = array<i32>} : memref<32768xf32, #tpu.memory_space<vmem>>, vector<16xf32>,
      %add3A_392 = arith.constant 256 : i32
      %add3A_393 = arith.addi %add3A_385, %add3A_392 : i32
      %get3A_394 = arith.index_cast %add3A_393 : i32 to index
      %get3A_395 = tpu.vector_load %arg6[%get3A_394] {strides = array<i32>} : memref<32768xf32, #tpu.memory_space<vmem>>, vector<16xf32>,
      %add3A_396 = arith.constant 384 : i32
      %add3A_397 = arith.addi %add3A_385, %add3A_396 : i32
      %get3A_398 = arith.index_cast %add3A_397 : i32 to index
      %get3A_399 = tpu.vector_load %arg6[%get3A_398] {strides = array<i32>} : memref<32768xf32, #tpu.memory_space<vmem>>, vector<16xf32>,
      %mul3A_400 = arith.constant 2.560000e+02 : f32
      %mul3A_401 = vector.broadcast %mul3A_400 : f32 to vector<16xf32>
      %mul3A_402 = arith.mulf %get3A_387, %mul3A_401 : vector<16xf32>
      %add3A_403 = arith.constant 0x4B400000 : f32
      %add3A_404 = vector.broadcast %add3A_403 : f32 to vector<16xf32>
      %add3A_405 = arith.addf %mul3A_402, %add3A_404 : vector<16xf32>
      %sub3A_406 = arith.constant 0x4B400000 : f32
      %sub3A_407 = vector.broadcast %sub3A_406 : f32 to vector<16xf32>
      %sub3A_408 = arith.subf %add3A_405, %sub3A_407 : vector<16xf32>
      %jit3A_409 = arith.constant 0.000000e+00 : f32
      %jit3A_410 = arith.constant 2.550000e+02 : f32
      %max3A_411 = vector.broadcast %jit3A_409 : f32 to vector<16xf32>
      %max3A_412 = arith.maximumf %max3A_411, %sub3A_408 : vector<16xf32>
      %min3A_413 = vector.broadcast %jit3A_410 : f32 to vector<16xf32>
      %min3A_414 = arith.minimumf %min3A_413, %max3A_412 : vector<16xf32>
      %mul3A_415 = arith.constant 2.560000e+02 : f32
      %mul3A_416 = vector.broadcast %mul3A_415 : f32 to vector<16xf32>
      %mul3A_417 = arith.mulf %get3A_391, %mul3A_416 : vector<16xf32>
      %add3A_418 = arith.constant 0x4B400000 : f32
      %add3A_419 = vector.broadcast %add3A_418 : f32 to vector<16xf32>
      %add3A_420 = arith.addf %mul3A_417, %add3A_419 : vector<16xf32>
      %sub3A_421 = arith.constant 0x4B400000 : f32
      %sub3A_422 = vector.broadcast %sub3A_421 : f32 to vector<16xf32>
      %sub3A_423 = arith.subf %add3A_420, %sub3A_422 : vector<16xf32>
      %jit3A_424 = arith.constant 0.000000e+00 : f32
      %jit3A_425 = arith.constant 2.550000e+02 : f32
      %max3A_426 = vector.broadcast %jit3A_424 : f32 to vector<16xf32>
      %max3A_427 = arith.maximumf %max3A_426, %sub3A_423 : vector<16xf32>
      %min3A_428 = vector.broadcast %jit3A_425 : f32 to vector<16xf32>
      %min3A_429 = arith.minimumf %min3A_428, %max3A_427 : vector<16xf32>
      %mul3A_430 = arith.constant 1.600000e+01 : f32
      %mul3A_431 = vector.broadcast %mul3A_430 : f32 to vector<16xf32>
      %mul3A_432 = arith.mulf %get3A_395, %mul3A_431 : vector<16xf32>
      %add3A_433 = arith.constant 0x4B400000 : f32
      %add3A_434 = vector.broadcast %add3A_433 : f32 to vector<16xf32>
      %add3A_435 = arith.addf %mul3A_432, %add3A_434 : vector<16xf32>
      %sub3A_436 = arith.constant 0x4B400000 : f32
      %sub3A_437 = vector.broadcast %sub3A_436 : f32 to vector<16xf32>
      %sub3A_438 = arith.subf %add3A_435, %sub3A_437 : vector<16xf32>
      %jit3A_439 = arith.constant 0.000000e+00 : f32
      %jit3A_440 = arith.constant 1.500000e+01 : f32
      %max3A_441 = vector.broadcast %jit3A_439 : f32 to vector<16xf32>
      %max3A_442 = arith.maximumf %max3A_441, %sub3A_438 : vector<16xf32>
      %min3A_443 = vector.broadcast %jit3A_440 : f32 to vector<16xf32>
      %min3A_444 = arith.minimumf %min3A_443, %max3A_442 : vector<16xf32>
      %mul3A_445 = arith.constant 1.600000e+01 : f32
      %mul3A_446 = vector.broadcast %mul3A_445 : f32 to vector<16xf32>
      %mul3A_447 = arith.mulf %get3A_399, %mul3A_446 : vector<16xf32>
      %add3A_448 = arith.constant 0x4B400000 : f32
      %add3A_449 = vector.broadcast %add3A_448 : f32 to vector<16xf32>
      %add3A_450 = arith.addf %mul3A_447, %add3A_449 : vector<16xf32>
      %sub3A_451 = arith.constant 0x4B400000 : f32
      %sub3A_452 = vector.broadcast %sub3A_451 : f32 to vector<16xf32>
      %sub3A_453 = arith.subf %add3A_450, %sub3A_452 : vector<16xf32>
      %jit3A_454 = arith.constant 0.000000e+00 : f32
      %jit3A_455 = arith.constant 1.500000e+01 : f32
      %max3A_456 = vector.broadcast %jit3A_454 : f32 to vector<16xf32>
      %max3A_457 = arith.maximumf %max3A_456, %sub3A_453 : vector<16xf32>
      %min3A_458 = vector.broadcast %jit3A_455 : f32 to vector<16xf32>
      %min3A_459 = arith.minimumf %min3A_458, %max3A_457 : vector<16xf32>
      %mul3A_460 = arith.constant 6.553600e+04 : f32
      %mul3A_461 = vector.broadcast %mul3A_460 : f32 to vector<16xf32>
      %mul3A_462 = arith.mulf %min3A_414, %mul3A_461 : vector<16xf32>
      %mul3A_463 = arith.constant 4.096000e+03 : f32
      %mul3A_464 = vector.broadcast %mul3A_463 : f32 to vector<16xf32>
      %mul3A_465 = arith.mulf %min3A_444, %mul3A_464 : vector<16xf32>
      %add3A_466 = arith.addf %mul3A_462, %mul3A_465 : vector<16xf32>
      %mul3A_467 = arith.constant 2.560000e+02 : f32
      %mul3A_468 = vector.broadcast %mul3A_467 : f32 to vector<16xf32>
      %mul3A_469 = arith.mulf %min3A_459, %mul3A_468 : vector<16xf32>
      %add3A_470 = arith.addf %add3A_466, %mul3A_469 : vector<16xf32>
      %add3A_471 = arith.addf %add3A_470, %min3A_429 : vector<16xf32>
      %convert_element_type3A_472 = arith.fptosi %add3A_471 : vector<16xf32> to vector<16xi32>
      %mul3A_473 = arith.constant 128 : i32
      %mul3A_474 = arith.muli %shift_right_arithmetic3A_177, %mul3A_473 : i32
      %mul3A_475 = arith.constant 16 : i32
      %mul3A_476 = arith.muli %add3A_380, %mul3A_475 : i32
      %add3A_477 = arith.addi %mul3A_474, %mul3A_476 : i32
      %dma_start3A_478 = tpu.memref_slice %arg8[%add3A_477] : memref<8192xf32, #tpu.memory_space<vmem>> -> memref<16xf32, #tpu.memory_space<vmem>>
      %dma_start3A_479 = arith.constant 0 : i32
      %dma_start3A_480 = tpu.memref_slice %arg3[%dma_start3A_479] : memref<16777216xf32, #tpu.memory_space<hbm>> -> memref<16777216xf32, #tpu.memory_space<hbm>>
      tpu.enqueue_indirect_dma source(%dma_start3A_480 : memref<16777216xf32, #tpu.memory_space<hbm>>) target(%dma_start3A_478 : memref<16xf32, #tpu.memory_space<vmem>>) offsets(%convert_element_type3A_472 : vector<16xi32>) semaphore(%arg12 : memref<!tpu.dma_semaphore, #tpu.memory_space<semaphore_mem>>)
      %add3A_481 = arith.constant 3 : i32
      %add3A_482 = arith.addi %mul3A_180, %add3A_481 : i32
      %mul3A_483 = arith.constant 512 : i32
      %mul3A_484 = arith.muli %shift_right_arithmetic3A_177, %mul3A_483 : i32
      %mul3A_485 = arith.constant 16 : i32
      %mul3A_486 = arith.muli %add3A_482, %mul3A_485 : i32
      %add3A_487 = arith.addi %mul3A_484, %mul3A_486 : i32
      %get3A_488 = arith.index_cast %add3A_487 : i32 to index
      %get3A_489 = tpu.vector_load %arg6[%get3A_488] {strides = array<i32>} : memref<32768xf32, #tpu.memory_space<vmem>>, vector<16xf32>,
      %add3A_490 = arith.constant 128 : i32
      %add3A_491 = arith.addi %add3A_487, %add3A_490 : i32
      %get3A_492 = arith.index_cast %add3A_491 : i32 to index
      %get3A_493 = tpu.vector_load %arg6[%get3A_492] {strides = array<i32>} : memref<32768xf32, #tpu.memory_space<vmem>>, vector<16xf32>,
      %add3A_494 = arith.constant 256 : i32
      %add3A_495 = arith.addi %add3A_487, %add3A_494 : i32
      %get3A_496 = arith.index_cast %add3A_495 : i32 to index
      %get3A_497 = tpu.vector_load %arg6[%get3A_496] {strides = array<i32>} : memref<32768xf32, #tpu.memory_space<vmem>>, vector<16xf32>,
      %add3A_498 = arith.constant 384 : i32
      %add3A_499 = arith.addi %add3A_487, %add3A_498 : i32
      %get3A_500 = arith.index_cast %add3A_499 : i32 to index
      %get3A_501 = tpu.vector_load %arg6[%get3A_500] {strides = array<i32>} : memref<32768xf32, #tpu.memory_space<vmem>>, vector<16xf32>,
      %mul3A_502 = arith.constant 2.560000e+02 : f32
      %mul3A_503 = vector.broadcast %mul3A_502 : f32 to vector<16xf32>
      %mul3A_504 = arith.mulf %get3A_489, %mul3A_503 : vector<16xf32>
      %add3A_505 = arith.constant 0x4B400000 : f32
      %add3A_506 = vector.broadcast %add3A_505 : f32 to vector<16xf32>
      %add3A_507 = arith.addf %mul3A_504, %add3A_506 : vector<16xf32>
      %sub3A_508 = arith.constant 0x4B400000 : f32
      %sub3A_509 = vector.broadcast %sub3A_508 : f32 to vector<16xf32>
      %sub3A_510 = arith.subf %add3A_507, %sub3A_509 : vector<16xf32>
      %jit3A_511 = arith.constant 0.000000e+00 : f32
      %jit3A_512 = arith.constant 2.550000e+02 : f32
      %max3A_513 = vector.broadcast %jit3A_511 : f32 to vector<16xf32>
      %max3A_514 = arith.maximumf %max3A_513, %sub3A_510 : vector<16xf32>
      %min3A_515 = vector.broadcast %jit3A_512 : f32 to vector<16xf32>
      %min3A_516 = arith.minimumf %min3A_515, %max3A_514 : vector<16xf32>
      %mul3A_517 = arith.constant 2.560000e+02 : f32
      %mul3A_518 = vector.broadcast %mul3A_517 : f32 to vector<16xf32>
      %mul3A_519 = arith.mulf %get3A_493, %mul3A_518 : vector<16xf32>
      %add3A_520 = arith.constant 0x4B400000 : f32
      %add3A_521 = vector.broadcast %add3A_520 : f32 to vector<16xf32>
      %add3A_522 = arith.addf %mul3A_519, %add3A_521 : vector<16xf32>
      %sub3A_523 = arith.constant 0x4B400000 : f32
      %sub3A_524 = vector.broadcast %sub3A_523 : f32 to vector<16xf32>
      %sub3A_525 = arith.subf %add3A_522, %sub3A_524 : vector<16xf32>
      %jit3A_526 = arith.constant 0.000000e+00 : f32
      %jit3A_527 = arith.constant 2.550000e+02 : f32
      %max3A_528 = vector.broadcast %jit3A_526 : f32 to vector<16xf32>
      %max3A_529 = arith.maximumf %max3A_528, %sub3A_525 : vector<16xf32>
      %min3A_530 = vector.broadcast %jit3A_527 : f32 to vector<16xf32>
      %min3A_531 = arith.minimumf %min3A_530, %max3A_529 : vector<16xf32>
      %mul3A_532 = arith.constant 1.600000e+01 : f32
      %mul3A_533 = vector.broadcast %mul3A_532 : f32 to vector<16xf32>
      %mul3A_534 = arith.mulf %get3A_497, %mul3A_533 : vector<16xf32>
      %add3A_535 = arith.constant 0x4B400000 : f32
      %add3A_536 = vector.broadcast %add3A_535 : f32 to vector<16xf32>
      %add3A_537 = arith.addf %mul3A_534, %add3A_536 : vector<16xf32>
      %sub3A_538 = arith.constant 0x4B400000 : f32
      %sub3A_539 = vector.broadcast %sub3A_538 : f32 to vector<16xf32>
      %sub3A_540 = arith.subf %add3A_537, %sub3A_539 : vector<16xf32>
      %jit3A_541 = arith.constant 0.000000e+00 : f32
      %jit3A_542 = arith.constant 1.500000e+01 : f32
      %max3A_543 = vector.broadcast %jit3A_541 : f32 to vector<16xf32>
      %max3A_544 = arith.maximumf %max3A_543, %sub3A_540 : vector<16xf32>
      %min3A_545 = vector.broadcast %jit3A_542 : f32 to vector<16xf32>
      %min3A_546 = arith.minimumf %min3A_545, %max3A_544 : vector<16xf32>
      %mul3A_547 = arith.constant 1.600000e+01 : f32
      %mul3A_548 = vector.broadcast %mul3A_547 : f32 to vector<16xf32>
      %mul3A_549 = arith.mulf %get3A_501, %mul3A_548 : vector<16xf32>
      %add3A_550 = arith.constant 0x4B400000 : f32
      %add3A_551 = vector.broadcast %add3A_550 : f32 to vector<16xf32>
      %add3A_552 = arith.addf %mul3A_549, %add3A_551 : vector<16xf32>
      %sub3A_553 = arith.constant 0x4B400000 : f32
      %sub3A_554 = vector.broadcast %sub3A_553 : f32 to vector<16xf32>
      %sub3A_555 = arith.subf %add3A_552, %sub3A_554 : vector<16xf32>
      %jit3A_556 = arith.constant 0.000000e+00 : f32
      %jit3A_557 = arith.constant 1.500000e+01 : f32
      %max3A_558 = vector.broadcast %jit3A_556 : f32 to vector<16xf32>
      %max3A_559 = arith.maximumf %max3A_558, %sub3A_555 : vector<16xf32>
      %min3A_560 = vector.broadcast %jit3A_557 : f32 to vector<16xf32>
      %min3A_561 = arith.minimumf %min3A_560, %max3A_559 : vector<16xf32>
      %mul3A_562 = arith.constant 6.553600e+04 : f32
      %mul3A_563 = vector.broadcast %mul3A_562 : f32 to vector<16xf32>
      %mul3A_564 = arith.mulf %min3A_516, %mul3A_563 : vector<16xf32>
      %mul3A_565 = arith.constant 4.096000e+03 : f32
      %mul3A_566 = vector.broadcast %mul3A_565 : f32 to vector<16xf32>
      %mul3A_567 = arith.mulf %min3A_546, %mul3A_566 : vector<16xf32>
      %add3A_568 = arith.addf %mul3A_564, %mul3A_567 : vector<16xf32>
      %mul3A_569 = arith.constant 2.560000e+02 : f32
      %mul3A_570 = vector.broadcast %mul3A_569 : f32 to vector<16xf32>
      %mul3A_571 = arith.mulf %min3A_561, %mul3A_570 : vector<16xf32>
      %add3A_572 = arith.addf %add3A_568, %mul3A_571 : vector<16xf32>
      %add3A_573 = arith.addf %add3A_572, %min3A_531 : vector<16xf32>
      %convert_element_type3A_574 = arith.fptosi %add3A_573 : vector<16xf32> to vector<16xi32>
      %mul3A_575 = arith.constant 128 : i32
      %mul3A_576 = arith.muli %shift_right_arithmetic3A_177, %mul3A_575 : i32
      %mul3A_577 = arith.constant 16 : i32
      %mul3A_578 = arith.muli %add3A_482, %mul3A_577 : i32
      %add3A_579 = arith.addi %mul3A_576, %mul3A_578 : i32
      %dma_start3A_580 = tpu.memref_slice %arg8[%add3A_579] : memref<8192xf32, #tpu.memory_space<vmem>> -> memref<16xf32, #tpu.memory_space<vmem>>
      %dma_start3A_581 = arith.constant 0 : i32
      %dma_start3A_582 = tpu.memref_slice %arg3[%dma_start3A_581] : memref<16777216xf32, #tpu.memory_space<hbm>> -> memref<16777216xf32, #tpu.memory_space<hbm>>
      tpu.enqueue_indirect_dma source(%dma_start3A_582 : memref<16777216xf32, #tpu.memory_space<hbm>>) target(%dma_start3A_580 : memref<16xf32, #tpu.memory_space<vmem>>) offsets(%convert_element_type3A_574 : vector<16xi32>) semaphore(%arg12 : memref<!tpu.dma_semaphore, #tpu.memory_space<semaphore_mem>>)
    }
    %scan3A_131 = arith.constant 128 : i32
    %dma_wait3A_132 = arith.constant 0 : i32
    %dma_wait3A_133 = tpu.memref_slice %arg7[%dma_wait3A_132] : memref<8192xf32, #tpu.memory_space<vmem>> -> memref<8192xf32, #tpu.memory_space<vmem>>
    %dma_wait3A_134 = arith.constant 0 : i32
    %dma_wait3A_135 = tpu.memref_slice %arg3[%dma_wait3A_134] : memref<16777216xf32, #tpu.memory_space<hbm>> -> memref<8192xf32, #tpu.memory_space<hbm>>
    %dma_wait3A_136 = arith.constant 0 : i32
    %dma_wait3A_137 = tpu.memref_slice %arg7[%dma_wait3A_136] : memref<8192xf32, #tpu.memory_space<vmem>> -> memref<8192xf32, #tpu.memory_space<vmem>>
    %dma_wait3A_138 = arith.constant 0 : i32
    %dma_wait3A_139 = tpu.memref_slice %arg3[%dma_wait3A_138] : memref<16777216xf32, #tpu.memory_space<hbm>> -> memref<8192xf32, #tpu.memory_space<hbm>>
    tpu.wait_dma2 semaphore(%arg11 : memref<!tpu.dma_semaphore, #tpu.memory_space<semaphore_mem>>) src(%dma_wait3A_139 : memref<8192xf32, #tpu.memory_space<hbm>>) dst(%dma_wait3A_137 : memref<8192xf32, #tpu.memory_space<vmem>>)
    %add3A_140 = arith.constant 16384 : i32
    %add3A_141 = arith.addi %multiple_of3A, %add3A_140 : i32
    %dma_start3A_142 = arith.constant 0 : i32
    %dma_start3A_143 = tpu.memref_slice %arg7[%dma_start3A_142] : memref<8192xf32, #tpu.memory_space<vmem>> -> memref<8192xf32, #tpu.memory_space<vmem>>
    %dma_start3A_144 = tpu.memref_slice %arg4[%add3A_141] : memref<1048576xf32, #tpu.memory_space<hbm>> -> memref<8192xf32, #tpu.memory_space<hbm>>
    %dma_start3A_145 = tpu.memref_slice %arg4[%add3A_141] : memref<1048576xf32, #tpu.memory_space<hbm>> -> memref<8192xf32, #tpu.memory_space<hbm>>
    %dma_start3A_146 = arith.constant 0 : i32
    %dma_start3A_147 = tpu.memref_slice %arg7[%dma_start3A_146] : memref<8192xf32, #tpu.memory_space<vmem>> -> memref<8192xf32, #tpu.memory_space<vmem>>
    tpu.enqueue_dma source(%dma_start3A_147 : memref<8192xf32, #tpu.memory_space<vmem>>) target(%dma_start3A_145 : memref<8192xf32, #tpu.memory_space<hbm>>) target_semaphore(%arg13 : memref<!tpu.dma_semaphore, #tpu.memory_space<semaphore_mem>>)
    %dma_wait3A_148 = arith.constant 0 : i32
    %dma_wait3A_149 = tpu.memref_slice %arg8[%dma_wait3A_148] : memref<8192xf32, #tpu.memory_space<vmem>> -> memref<8192xf32, #tpu.memory_space<vmem>>
    %dma_wait3A_150 = arith.constant 0 : i32
    %dma_wait3A_151 = tpu.memref_slice %arg3[%dma_wait3A_150] : memref<16777216xf32, #tpu.memory_space<hbm>> -> memref<8192xf32, #tpu.memory_space<hbm>>
    %dma_wait3A_152 = arith.constant 0 : i32
    %dma_wait3A_153 = tpu.memref_slice %arg8[%dma_wait3A_152] : memref<8192xf32, #tpu.memory_space<vmem>> -> memref<8192xf32, #tpu.memory_space<vmem>>
    %dma_wait3A_154 = arith.constant 0 : i32
    %dma_wait3A_155 = tpu.memref_slice %arg3[%dma_wait3A_154] : memref<16777216xf32, #tpu.memory_space<hbm>> -> memref<8192xf32, #tpu.memory_space<hbm>>
    tpu.wait_dma2 semaphore(%arg12 : memref<!tpu.dma_semaphore, #tpu.memory_space<semaphore_mem>>) src(%dma_wait3A_155 : memref<8192xf32, #tpu.memory_space<hbm>>) dst(%dma_wait3A_153 : memref<8192xf32, #tpu.memory_space<vmem>>)
    %add3A_156 = arith.constant 24576 : i32
    %add3A_157 = arith.addi %multiple_of3A, %add3A_156 : i32
    %dma_start3A_158 = arith.constant 0 : i32
    %dma_start3A_159 = tpu.memref_slice %arg8[%dma_start3A_158] : memref<8192xf32, #tpu.memory_space<vmem>> -> memref<8192xf32, #tpu.memory_space<vmem>>
    %dma_start3A_160 = tpu.memref_slice %arg4[%add3A_157] : memref<1048576xf32, #tpu.memory_space<hbm>> -> memref<8192xf32, #tpu.memory_space<hbm>>
    %dma_start3A_161 = tpu.memref_slice %arg4[%add3A_157] : memref<1048576xf32, #tpu.memory_space<hbm>> -> memref<8192xf32, #tpu.memory_space<hbm>>
    %dma_start3A_162 = arith.constant 0 : i32
    %dma_start3A_163 = tpu.memref_slice %arg8[%dma_start3A_162] : memref<8192xf32, #tpu.memory_space<vmem>> -> memref<8192xf32, #tpu.memory_space<vmem>>
    tpu.enqueue_dma source(%dma_start3A_163 : memref<8192xf32, #tpu.memory_space<vmem>>) target(%dma_start3A_161 : memref<8192xf32, #tpu.memory_space<hbm>>) target_semaphore(%arg14 : memref<!tpu.dma_semaphore, #tpu.memory_space<semaphore_mem>>)
    %dma_wait3A_164 = arith.constant 0 : i32
    %dma_wait3A_165 = tpu.memref_slice %arg7[%dma_wait3A_164] : memref<8192xf32, #tpu.memory_space<vmem>> -> memref<8192xf32, #tpu.memory_space<vmem>>
    %dma_wait3A_166 = tpu.memref_slice %arg4[%add3A_141] : memref<1048576xf32, #tpu.memory_space<hbm>> -> memref<8192xf32, #tpu.memory_space<hbm>>
    %dma_wait3A_167 = tpu.memref_slice %arg4[%add3A_141] : memref<1048576xf32, #tpu.memory_space<hbm>> -> memref<8192xf32, #tpu.memory_space<hbm>>
    %dma_wait3A_168 = arith.constant 0 : i32
    %dma_wait3A_169 = tpu.memref_slice %arg7[%dma_wait3A_168] : memref<8192xf32, #tpu.memory_space<vmem>> -> memref<8192xf32, #tpu.memory_space<vmem>>
    tpu.wait_dma2 semaphore(%arg13 : memref<!tpu.dma_semaphore, #tpu.memory_space<semaphore_mem>>) src(%dma_wait3A_169 : memref<8192xf32, #tpu.memory_space<vmem>>) dst(%dma_wait3A_167 : memref<8192xf32, #tpu.memory_space<hbm>>)
    %dma_wait3A_170 = arith.constant 0 : i32
    %dma_wait3A_171 = tpu.memref_slice %arg8[%dma_wait3A_170] : memref<8192xf32, #tpu.memory_space<vmem>> -> memref<8192xf32, #tpu.memory_space<vmem>>
    %dma_wait3A_172 = tpu.memref_slice %arg4[%add3A_157] : memref<1048576xf32, #tpu.memory_space<hbm>> -> memref<8192xf32, #tpu.memory_space<hbm>>
    %dma_wait3A_173 = tpu.memref_slice %arg4[%add3A_157] : memref<1048576xf32, #tpu.memory_space<hbm>> -> memref<8192xf32, #tpu.memory_space<hbm>>
    %dma_wait3A_174 = arith.constant 0 : i32
    %dma_wait3A_175 = tpu.memref_slice %arg8[%dma_wait3A_174] : memref<8192xf32, #tpu.memory_space<vmem>> -> memref<8192xf32, #tpu.memory_space<vmem>>
    tpu.wait_dma2 semaphore(%arg14 : memref<!tpu.dma_semaphore, #tpu.memory_space<semaphore_mem>>) src(%dma_wait3A_175 : memref<8192xf32, #tpu.memory_space<vmem>>) dst(%dma_wait3A_173 : memref<8192xf32, #tpu.memory_space<hbm>>)
    return
  }
}

</mosaic_0001>

<sc_bundles>
// kernel: kernel.3.cloned.1.call-start
scs
__scs_entry_jumppad:
0x0: {  	(pc) =	sbr.rel $0x88, $3  }
0x1: {  	(tag) =	ssettag $0x0;
	lr =	simm.s32 $0x1  }
0x2: {  	[smem:$0x3F9F] =	sst lr;
	_ =	strace $0xD0000000  }
0x3: {  	_ = 	snop  }
0x4: {  	_ = 	snop  }
0x5: {  	_ = 	snop  }
0x6: {  	_ = 	snop  }
0x7: {  	_ = 	snop  }
__scs_overlays_trampoline_lowered:
0x8: {  	[smem:$0x3FAE] =	sst s0  }
0x9: {  	[smem:$0x3FAF] =	sst s1  }
0xa: {  	[smem:$0x3FB0] =	sst s2  }
0xb: {  	[smem:$0x3FB1] =	sst s3  }
0xc: {  	[smem:$0x3FB2] =	sst s4  }
0xd: {  	[smem:$0x3FB3] =	sst s5  }
0xe: {  	[smem:$0x3FB4] =	sst s6  }
0xf: {  	[smem:$0x3FB5] =	sst s7  }
0x10: {  	[smem:$0x3FB6] =	sst s8  }
0x11: {  	[smem:$0x3FB7] =	sst s9;
	s0 =	simm.s32 @!p0 $0x0  }
0x12: {  	s1 =	sld [smem:$0x3F9D];
	s0 =	simm.s32 @p0 $0x1  }
0x13: {  	[smem:$0x3FB8] =	sst s0;
	s0 =	simm.s32 @!p1 $0x0  }
0x14: {  	s2 =	sld [smem:$0x3F9C];
	s0 =	simm.s32 @p1 $0x1  }
0x15: {  	[smem:$0x3FB9] =	sst s0;
	s0 =	simm.s32 @!p2 $0x0  }
0x16: {  	s3 =	sld [smem:$0x3FDB];
	s0 =	simm.s32 @p2 $0x1  }
0x17: {  	s4 =	simm.s32 $0x1BF5;
	[smem:$0x3FBB] =	sst s0  }
0x18: {  	s0 =	sld [smem:$0x3F9E];
	_ =	swait.ge [sflag:s4], $0x0  }
0x19: {  	s7 =	sld [smem:$0x3F9F]  }
0x1a: {  	s8 =	sadd.s32 $0xFFFFE003, lr  }
0x1b: {  	s9 =	sadd.s32 $0xFFFFFEF7, lr;
	s5 =	simm.s32 $0xFFFFFFFF;
	p2 =	slt.u32 s8, $0xFFFFF086  }
0x1c: {  	p1 =	slt.u32 s9, $0xF7A;
	s5 =	simm.s32 @!p2 $0x0  }
0x1d: {  	s5 =	simm.s32 @p1 $0x1;
	p0 =	seq.s32 s7, s2  }
0x1e: {  	s7 =	smul.u32 @!p0 $0xF7A, s2;
	p2 =	seq.s32 @!p0 s5, $0x0  }
0x1f: {  	s9 =	smul.u32 $0xF7A, s1;
	s8 =	simm.s32 @!p0 $0x1BF5;
	p2 =	por !p2, p0  }
0x20: {  	[sflag:s8] =	ssyncset.s32 @!p0 $0xFFFFF086;
	s6 =	sadd.s32 @!p0 s3, s7;
	s7 =	simm.s32 @!p0 $0x108  }
0x21: {  	s3 =	sadd.s32 s3, s9;
	s6 =	sadd.s32 @!p0 $0x88, s6;
	s7 =	simm.s32 @p2 $0x1082  }
0x22: {  	[simem:s7], [sflag:s8] =	dma.local @!p0 [hbm:s6], $0xF7A  }
0x23: {  	s9 =	sor.u32 $0xD0000000, s2;
	s6 =	simm.s32 $0x108;
	_ =	swait.ge @!p0 [sflag:s8], $0x0  }
0x24: {  	s3 =	sadd.s32 $0x88, s3;
	s6 =	simm.s32 @!p1 $0x1082;
	[sflag:s4] =	ssyncset.s32 $0xFFFFF086  }
0x25: {  	[simem:s6], [sflag:s4] =	dma.local [hbm:s3], $0xF7A  }
0x26: {  	[smem:$0x3F9F] =	sst s1;
	(tag) =	ssettag s2;
	_ =	strace s9  }
0x27: {  	s1 =	sld [smem:$0x3FAF]  }
0x28: {  	s2 =	sld [smem:$0x3FB0]  }
0x29: {  	s4 =	sld [smem:$0x3FB2]  }
0x2a: {  	p0 =	seq.s32 s5, $0x0;
	s5 =	sld [smem:$0x3FB3]  }
0x2b: {  	s6 =	sld [smem:$0x3FB4]  }
0x2c: {  	s7 =	sld [smem:$0x3FB5]  }
0x2d: {  	s3 =	simm.s32 $0x108;
	s8 =	sld [smem:$0x3FB6]  }
0x2e: {  	s3 =	simm.s32 @!p0 $0x1082;
	s9 =	sld [smem:$0x3FB7]  }
0x2f: {  	lr =	sadd.s32 s0, s3;
	s0 =	sld [smem:$0x3FAE]  }
0x30: {  	s3 =	sld [smem:$0x3FB1]  }
0x31: {  	[smem:$0x3FBA] =	sst s10  }
0x32: {  	s10 =	sld [smem:$0x3FB8];
	_ =	sdelay $0x3  }
0x33: {  	p0 =	seq.s32 s10, $0x1;
	s10 =	sld [smem:$0x3FBA];
	_ =	sdelay $0x3  }
0x34: {  	[smem:$0x3FBA] =	sst s10  }
0x35: {  	s10 =	sld [smem:$0x3FB9];
	_ =	sdelay $0x3  }
0x36: {  	p1 =	seq.s32 s10, $0x1;
	s10 =	sld [smem:$0x3FBA];
	_ =	sdelay $0x3  }
0x37: {  	[smem:$0x3FBA] =	sst s10  }
0x38: {  	s10 =	sld [smem:$0x3FBB]  }
0x39: {  	_ = 	snop;
	(pc) =	sbr.ind lr, $3  }
0x3a: {  	_ = 	snop  }
0x3b: {  	_ = 	snop  }
0x3c: {  	p2 =	seq.s32 s10, $0x1;
	s10 =	sld [smem:$0x3FBA]  }
0x3d: {  	_ =	shalt  }
0x3e: {  	_ =	shalt  }
0x3f: {  	_ =	shalt  }
0x40: {  	_ =	shalt  }
0x41: {  	_ =	shalt  }
0x42: {  	_ =	shalt  }
0x43: {  	_ =	shalt  }
0x44: {  	_ =	shalt  }
0x45: {  	_ =	shalt  }
0x46: {  	_ =	shalt  }
0x47: {  	_ =	shalt  }
0x48: {  	_ =	shalt  }
0x49: {  	_ =	shalt  }
0x4a: {  	_ =	shalt  }
0x4b: {  	_ =	shalt  }
0x4c: {  	_ =	shalt  }
0x4d: {  	_ =	shalt  }
0x4e: {  	_ =	shalt  }
0x4f: {  	_ =	shalt  }
0x50: {  	_ =	shalt  }
0x51: {  	_ =	shalt  }
0x52: {  	_ =	shalt  }
0x53: {  	_ =	shalt  }
0x54: {  	_ =	shalt  }
0x55: {  	_ =	shalt  }
0x56: {  	_ =	shalt  }
0x57: {  	_ =	shalt  }
0x58: {  	_ =	shalt  }
0x59: {  	_ =	shalt  }
0x5a: {  	_ =	shalt  }
0x5b: {  	_ =	shalt  }
0x5c: {  	_ =	shalt  }
0x5d: {  	_ =	shalt  }
0x5e: {  	_ =	shalt  }
0x5f: {  	_ =	shalt  }
0x60: {  	_ =	shalt  }
0x61: {  	_ =	shalt  }
0x62: {  	_ =	shalt  }
0x63: {  	_ =	shalt  }
0x64: {  	_ =	shalt  }
0x65: {  	_ =	shalt  }
0x66: {  	_ =	shalt  }
0x67: {  	_ =	shalt  }
0x68: {  	_ =	shalt  }
0x69: {  	_ =	shalt  }
0x6a: {  	_ =	shalt  }
0x6b: {  	_ =	shalt  }
0x6c: {  	_ =	shalt  }
0x6d: {  	_ =	shalt  }
0x6e: {  	_ =	shalt  }
0x6f: {  	_ =	shalt  }
0x70: {  	_ =	shalt  }
0x71: {  	_ =	shalt  }
0x72: {  	_ =	shalt  }
0x73: {  	_ =	shalt  }
0x74: {  	_ =	shalt  }
0x75: {  	_ =	shalt  }
0x76: {  	_ =	shalt  }
0x77: {  	_ =	shalt  }
0x78: {  	_ =	shalt  }
0x79: {  	_ =	shalt  }
0x7a: {  	_ =	shalt  }
0x7b: {  	_ =	shalt  }
0x7c: {  	_ =	shalt  }
0x7d: {  	_ =	shalt  }
0x7e: {  	_ =	shalt  }
0x7f: {  	_ =	shalt  }
0x80: {  	_ =	shalt  }
0x81: {  	_ =	shalt  }
0x82: {  	_ =	shalt  }
0x83: {  	_ =	shalt  }
0x84: {  	_ =	shalt  }
0x85: {  	_ =	shalt  }
0x86: {  	_ =	shalt  }
0x87: {  	_ =	shalt  }
.Lfunc_end0:
.L_simem_size_0:
called_computation_lowered:
.L_overlay_start_0:
0x88: {  	s2 =	sld [smem:$0x3FD9]  }
0x89: {  	s3 =	sld [smem:$0x3FFE];
	_ =	sdelay $0x1  }
0x8a: {  	s1 =	srdreg.scid  }
0x8b: {  	s0 =	sand.u32 $0x1, s1  }
0x8c: {  	s18 =	sshll.u32 s0, $0xA;
	s2 =	sadd.s32 s3, s2  }
0x8d: {  	s2 =	sadd.s32 s2, s18  }
0x8e: {  	[smem:$0x3FC6] =	sst s2  }
0x8f: {  	_ = 	snop  }
0x90: {  	s2 =	sld [smem:$0x3FC9]  }
0x91: {  	s19 =	sld [smem:$0x3FC8]  }
0x92: {  	s4 =	sld [smem:$0x3FD0];
	(tm) =	ssettm $0x1  }
0x93: {  	s5 =	sld [smem:$0x3FFB];
	_ =	sdelay $0x3  }
0x94: {  	_ =	strace s5  }
0x95: {  	s5 =	sld [smem:$0x3FFC];
	_ =	sdelay $0x3  }
0x96: {  	_ =	strace s5  }
0x97: {  	s5 =	sld [smem:$0x3FFD];
	_ =	sdelay $0x3  }
0x98: {  	_ =	strace s5  }
0x99: {  	_ =	strace $0x8FFFFFFF  }
0x9a: {  	s20 =	sld [smem:$0x3FDB];
	_ =	sdelay $0x1  }
0x9b: {  	s6 =	simm.s32 $_scs_section_size  }
0x9c: {  	s7 =	simm.s32 $_size__tile_overlayer_lowered;
	s8 =	simm.s32 $_tile_overlayer_lowered  }
0x9d: {  	s23 =	simm.s32 $0x1BFF;
	s22 =	sshll.u32 s8, $0x1;
	s5 =	sadd.s32 s6, s20  }
0x9e: {  	s9 =	simm.s32 $0x0;
	s21 =	sshll.u32 s7, $0x1;
	s7 =	sadd.s32 s22, s5  }
0x9f: {  	[timem:s9], [sflag:s23] =	dma.local [hbm:s7], s21  }
0xa0: {  	_ =	swait.ge [sflag:s23], s21  }
0xa1: {  	s6 =	ssub.s32 $0x0, s21;
	[sflag:s23] =	ssyncset.done $0x0  }
0xa2: {  	[sflag:s23] =	ssyncadd.s32 s6;
	_ =	sdelay $0x1  }
0xa3: {  	s24 =	simm.s32 $0x1B8B  }
0xa4: {  	_ =	swait.ge [sflag:s24], $0x1  }
0xa5: {  	[sflag:s24] =	ssyncset.done $0x0  }
0xa6: {  	s25 =	simm.s32 $0x1B8E;
	[sflag:s24] =	ssyncadd.s32 $0xFFFFFFFF  }
0xa7: {  	s26 =	simm.s32 $execute0_lowered;
	[smem:$0x3FD2] =	sst s25  }
0xa8: {  	s6 =	sshll.u32 s26, $0x1;
	_ =	strace $0x80000046;
	[dreg:$0x1] =	wrdreg $0xFFFFFFFF  }
0xa9: {  	s28 =	simm.s32 $_size_execute0_lowered;
	s5 =	sadd.s32 s5, s6;
	[dreg:$0x0] =	wrdreg $0x0  }
0xaa: {  	s6 =	sshll.u32 s28, $0x1;
	[dreg:$0x2] =	wrdreg s5  }
0xab: {  	[dreg:$0x3] =	wrdreg s6  }
0xac: {  	[dreg:$0x4] =	wrdreg $0xC0  }
0xad: {  	_ =	task [dreg:s9], $0x5FFFF  }
0xae: {  	[dreg:$0x1] =	wrdreg $0xFFFFFFFF  }
0xaf: {  	[dreg:$0x0] =	wrdreg $0x60  }
0xb0: {  	[dreg:$0x2] =	wrdreg s2  }
0xb1: {  	[dreg:$0x3] =	wrdreg s19  }
0xb2: {  	[dreg:$0x4] =	wrdreg s4  }
0xb3: {  	[dreg:$0x5] =	wrdreg $0x9  }
0xb4: {  	_ =	task.clear_ibuf [dreg:s9], $0x6FFFF;
	_ =	strace $0x90000046  }
0xb5: {  	s29 =	simm.s32 $0x9;
	_ =	strace $0x80000048  }
0xb6: {  	_ =	swait.ge [sflag:s29], $0x1  }
0xb7: {  	[sflag:s29] =	ssyncadd.s32 $0xFFFFFFFF  }
0xb8: {  	_ =	strace $0x90000048  }
0xb9: {  	_ =	sfence  }
0xba: {  	s30 =	sld [smem:$0x0];
	_ =	sdelay $0x2  }
0xbb: {  	s31 =	sshll.u32 s1, $0xD;
	s1 =	sshrl.u32 s1, $0x2  }
0xbc: {  	s3 =	sand.u32 $0x4000, s31;
	s1 =	sadd.s32 s1, s30  }
0xbd: {  	s0 =	sor.u32 s3, s0;
	s1 =	sshll.u32 s1, $0x11  }
0xbe: {  	s0 =	sor.u32 s1, s0  }
0xbf: {  	s0 =	sadd.s32 $0x8F2B, s0  }
0xc0: {  	[sflag:s0] =	ssyncadd.remote.s32 $0x1  }
0xc1: {  	_ =	sfence.sel $0xFFFF  }
0xc2: {  	[dreg:$0x0] =	wrdreg $0xFFFFFFFF;
	(pc) =	sbr.abs _section_cstart, $3  }
0xc3: {  	[dreg:$0x1] =	wrdreg $0xFFFFFFFF  }
0xc4: {  	_ =	task.clear_ibuf [dreg:s9], $0x2FFFF;
	_ =	strace $0x9FFFFFFF  }
0xc5: {  	(tm) =	ssettm $0x7FFFFFFF  }
tec
execute0_lowered:
.L_overlay_start_1:
0x0: {  	(tag) =	ssettag $0x1  }
0x1: {  	s7 =	rddreg [dreg:$0x0]  }
0x2: {  	s2 =	rddreg [dreg:$0x1]  }
0x3: {  	s11 =	rddreg [dreg:$0x2];
	s3 =	srdreg.scid  }
0x4: {  	s0 =	rddreg [dreg:$0x3];
	s1 =	stileid.u32;
	s15 =	simm.s32 $0x2  }
0x5: {  	s16 =	simm.s32 $0x3;
	s17 =	simm.s32 $0x10000;
	s18 =	simm.s32 $0x5  }
0x6: {  	s19 =	simm.s32 $0x4;
	s20 =	simm.s32 $0x12000;
	s21 =	simm.s32 $0x6  }
0x7: {  	s22 =	simm.s32 $0x0;
	s4 =	sand.u32 $0x1, s3;
	s3 =	simm.s32 $0x0  }
0x8: {  	s5 =	sshll.u32 s1, $0x10;
	s6 =	sshll.u32 s4, $0xF;
	s4 =	ssub.s32 $0x2, s4  }
0x9: {  	[smem:$0x7FF] =	sst s3;
	s8 =	sor.u32 s6, s5;
	s29 =	sshrl.u32 s4, $0x1  }
0xa: {  	_ =	strace $0x80000047;
	s6 =	sshrl.u32 s8, $0x1;
	s12 =	ssub.s32 s4, s29  }
0xb: {  	s9 =	sor.u32 $0x2000, s8;
	s10 =	sor.u32 $0x4000, s8;
	s13 =	sor.u32 $0x6000, s8  }
0xc: {  	s8 =	sshrl.u32 s8, $0x3;
	s4 =	sadd.s32 s7, s6;
	s30 =	sshrl.u32 s9, $0x1  }
0xd: {  	s31 =	sshrl.u32 s10, $0x1;
	s14 =	sshrl.u32 s13, $0x1;
	s8 =	sadd.s32 s11, s8  }
0xe: {  	s9 =	sshrl.u32 s9, $0x3;
	s10 =	sshrl.u32 s10, $0x3;
	s13 =	sshrl.u32 s13, $0x3  }
0xf: {  	s12 =	smax.u32 s12, $0x1;
	s5 =	sadd.s32 s7, s30;
	s6 =	sadd.s32 s7, s31  }
0x10: {  	s7 =	sadd.s32 s7, s14;
	s9 =	sadd.s32 s11, s9;
	s10 =	sadd.s32 s11, s10  }
0x11: {  	vm0 =	vmmov $0xffff;
	s11 =	sadd.s32 s11, s13;
	s13 =	simm.s32 $0x8000;
	s14 =	simm.s32 $0x1  }
.LBB2_1:
0x12: {  	[tilespmem:s3], [sflag:$0x1] =	stream.linear.gather [hbm4b:s4+s3], $0x8000, $0x38;
	[tilespmem:$0x14000] =	vst v63  }
0x13: {  	_ = 	snop  }
0x14: {  	[tilespmem:s13], [sflag:$0x2] =	stream.linear.gather [hbm4b:s5+s3], $0x8000, $0x38;
	[tilespmem:$0x14000] =	vst v63  }
0x15: {  	_ =	swait.ge [sflag:s14], $0x8000  }
0x16: {  	[sflag:s14] =	ssyncset.done $0x0  }
0x17: {  	s23 =	simm.s32 $0x0;
	s24 =	simm.s32 $0x0;
	[sflag:s14] =	ssyncadd.s32 $0xFFFF8000  }
.LBB2_2:
0x18: {  	s26 =	sshll.u32 s24, $0x8  }
0x19: {  	s25 =	sand.u32 $0x40, s23;
	s26 =	sand.u32 $0x3FFFFE00, s26  }
0x1a: {  	s28 =	sor.u32 s25, s26  }
0x1b: {  	v0 =	vld [tilespmem:s28+$0x0]  }
0x1c: {  	v1 =	vld [tilespmem:s28+$0x100]  }
0x1d: {  	v2 =	vld [tilespmem:s28+$0x180];
	_ =	sdelay $0x3  }
0x1e: {  	v3 =	vld [tilespmem:s28+$0x80];
	v0 =	vmul.f32 $2.560000000e+02, v0;
	v1 =	vmul.f32 $1.600000000e+01, v1  }
0x1f: {  	v2 =	vmul.f32 $1.600000000e+01, v2  }
0x20: {  	v0 =	vadd.f32 $1.258291200e+07, v0;
	v1 =	vadd.f32 $1.258291200e+07, v1  }
0x21: {  	v2 =	vadd.f32 $1.258291200e+07, v2  }
0x22: {  	v0 =	vadd.f32 $-1.258291200e+07, v0;
	v1 =	vadd.f32 $-1.258291200e+07, v1  }
0x23: {  	v3 =	vmul.f32 $2.560000000e+02, v3  }
0x24: {  	v2 =	vadd.f32 $-1.258291200e+07, v2;
	v0 =	vmax.f32 v0, $0.0e+00;
	v1 =	vmax.f32 v1, $0.0e+00  }
0x25: {  	v3 =	vadd.f32 $1.258291200e+07, v3;
	v0 =	vmin.f32 v0, $2.550000000e+02;
	v1 =	vmin.f32 v1, $1.500000000e+01  }
0x26: {  	v2 =	vmax.f32 v2, $0.0e+00;
	v0 =	vmul.f32 $6.553600000e+04, v0;
	v1 =	vmul.f32 $4.096000000e+03, v1  }
0x27: {  	v2 =	vmin.f32 v2, $1.500000000e+01  }
0x28: {  	v3 =	vadd.f32 $-1.258291200e+07, v3;
	v43 =	vmul.f32 $2.560000000e+02, v2;
	v0 =	vadd.f32 v1, v0;
	_ =	sdelay $0x1  }
0x29: {  	v44 =	vmax.f32 v3, $0.0e+00;
	v0 =	vadd.f32 v43, v0  }
0x2a: {  	v45 =	vmin.f32 v44, $2.550000000e+02  }
0x2b: {  	v0 =	vadd.f32 v0, v45;
	_ =	sdelay $0x1  }
0x2c: {  	v0 =	vtrunc.f32 v0  }
0x2d: {  	v0 =	vcvt.f32.s32 v0;
	_ =	sdelay $0x1  }
0x2e: {  	s30 =	sshll.u32 s24, $0x6  }
0x2f: {  	s28 =	sand.u32 $0x3FFFFF80, s30  }
0x30: {  	s31 =	sor.u32 $0x10, s25;
	s28 =	sadd.s32 $0x10000, s28  }
0x31: {  	s30 =	sor.u32 s31, s26;
	s29 =	sor.u32 s25, s28  }
0x32: {  	[tilespmem:s29], [sflag:$0x3] =	stream.indirect_vreg.gather [hbm4b:s2+s3], $0x1, v0, vm0, $0xb8;
	[tilespmem:$0x14000] =	vst v63  }
0x33: {  	v0 =	vld [tilespmem:s30+$0x0]  }
0x34: {  	v46 =	vld [tilespmem:s30+$0x100]  }
0x35: {  	v47 =	vld [tilespmem:s30+$0x180];
	_ =	sdelay $0x3  }
0x36: {  	v48 =	vld [tilespmem:s30+$0x80];
	v0 =	vmul.f32 $2.560000000e+02, v0;
	v1 =	vmul.f32 $1.600000000e+01, v46  }
0x37: {  	v2 =	vmul.f32 $1.600000000e+01, v47  }
0x38: {  	v0 =	vadd.f32 $1.258291200e+07, v0;
	v1 =	vadd.f32 $1.258291200e+07, v1  }
0x39: {  	v2 =	vadd.f32 $1.258291200e+07, v2  }
0x3a: {  	v0 =	vadd.f32 $-1.258291200e+07, v0;
	v1 =	vadd.f32 $-1.258291200e+07, v1  }
0x3b: {  	v3 =	vmul.f32 $2.560000000e+02, v48  }
0x3c: {  	v2 =	vadd.f32 $-1.258291200e+07, v2;
	v0 =	vmax.f32 v0, $0.0e+00;
	v1 =	vmax.f32 v1, $0.0e+00  }
0x3d: {  	v3 =	vadd.f32 $1.258291200e+07, v3;
	v0 =	vmin.f32 v0, $2.550000000e+02;
	v1 =	vmin.f32 v1, $1.500000000e+01  }
0x3e: {  	v2 =	vmax.f32 v2, $0.0e+00;
	v0 =	vmul.f32 $6.553600000e+04, v0;
	v1 =	vmul.f32 $4.096000000e+03, v1  }
0x3f: {  	v2 =	vmin.f32 v2, $1.500000000e+01  }
0x40: {  	v3 =	vadd.f32 $-1.258291200e+07, v3;
	v49 =	vmul.f32 $2.560000000e+02, v2;
	v0 =	vadd.f32 v1, v0;
	_ =	sdelay $0x1  }
0x41: {  	v50 =	vmax.f32 v3, $0.0e+00;
	v0 =	vadd.f32 v49, v0  }
0x42: {  	v51 =	vmin.f32 v50, $2.550000000e+02  }
0x43: {  	v0 =	vadd.f32 v0, v51;
	_ =	sdelay $0x1  }
0x44: {  	v0 =	vtrunc.f32 v0  }
0x45: {  	v0 =	vcvt.f32.s32 v0;
	_ =	sdelay $0x4  }
0x46: {  	s29 =	sor.u32 s31, s28  }
0x47: {  	[tilespmem:s29], [sflag:$0x3] =	stream.indirect_vreg.gather [hbm4b:s2+s3], $0x1, v0, vm0, $0xb8;
	[tilespmem:$0x14000] =	vst v63  }
0x48: {  	s29 =	sor.u32 $0x20, s25  }
0x49: {  	s31 =	sor.u32 s29, s26  }
0x4a: {  	v0 =	vld [tilespmem:s31+$0x0]  }
0x4b: {  	v52 =	vld [tilespmem:s31+$0x100]  }
0x4c: {  	v53 =	vld [tilespmem:s31+$0x180];
	_ =	sdelay $0x3  }
0x4d: {  	v54 =	vld [tilespmem:s31+$0x80];
	v0 =	vmul.f32 $2.560000000e+02, v0;
	v1 =	vmul.f32 $1.600000000e+01, v52  }
0x4e: {  	v2 =	vmul.f32 $1.600000000e+01, v53  }
0x4f: {  	v0 =	vadd.f32 $1.258291200e+07, v0;
	v1 =	vadd.f32 $1.258291200e+07, v1  }
0x50: {  	v2 =	vadd.f32 $1.258291200e+07, v2  }
0x51: {  	v0 =	vadd.f32 $-1.258291200e+07, v0;
	v1 =	vadd.f32 $-1.258291200e+07, v1  }
0x52: {  	v3 =	vmul.f32 $2.560000000e+02, v54  }
0x53: {  	v2 =	vadd.f32 $-1.258291200e+07, v2;
	v0 =	vmax.f32 v0, $0.0e+00;
	v1 =	vmax.f32 v1, $0.0e+00  }
0x54: {  	v3 =	vadd.f32 $1.258291200e+07, v3;
	v0 =	vmin.f32 v0, $2.550000000e+02;
	v1 =	vmin.f32 v1, $1.500000000e+01  }
0x55: {  	v2 =	vmax.f32 v2, $0.0e+00;
	v0 =	vmul.f32 $6.553600000e+04, v0;
	v1 =	vmul.f32 $4.096000000e+03, v1  }
0x56: {  	v2 =	vmin.f32 v2, $1.500000000e+01  }
0x57: {  	v3 =	vadd.f32 $-1.258291200e+07, v3;
	v55 =	vmul.f32 $2.560000000e+02, v2;
	v0 =	vadd.f32 v1, v0;
	_ =	sdelay $0x1  }
0x58: {  	v56 =	vmax.f32 v3, $0.0e+00;
	v0 =	vadd.f32 v55, v0  }
0x59: {  	v57 =	vmin.f32 v56, $2.550000000e+02  }
0x5a: {  	v0 =	vadd.f32 v0, v57;
	_ =	sdelay $0x1  }
0x5b: {  	v0 =	vtrunc.f32 v0  }
0x5c: {  	v0 =	vcvt.f32.s32 v0;
	_ =	sdelay $0x3  }
0x5d: {  	s25 =	sor.u32 $0x30, s25  }
0x5e: {  	s29 =	sor.u32 s29, s28;
	s26 =	sor.u32 s25, s26  }
0x5f: {  	[tilespmem:s29], [sflag:$0x3] =	stream.indirect_vreg.gather [hbm4b:s2+s3], $0x1, v0, vm0, $0xb8;
	[tilespmem:$0x14000] =	vst v63  }
0x60: {  	v0 =	vld [tilespmem:s26+$0x0]  }
0x61: {  	v58 =	vld [tilespmem:s26+$0x100]  }
0x62: {  	v59 =	vld [tilespmem:s26+$0x180];
	_ =	sdelay $0x3  }
0x63: {  	v60 =	vld [tilespmem:s26+$0x80];
	v0 =	vmul.f32 $2.560000000e+02, v0;
	v1 =	vmul.f32 $1.600000000e+01, v58  }
0x64: {  	v2 =	vmul.f32 $1.600000000e+01, v59  }
0x65: {  	v0 =	vadd.f32 $1.258291200e+07, v0;
	v1 =	vadd.f32 $1.258291200e+07, v1  }
0x66: {  	v2 =	vadd.f32 $1.258291200e+07, v2  }
0x67: {  	v0 =	vadd.f32 $-1.258291200e+07, v0;
	v1 =	vadd.f32 $-1.258291200e+07, v1  }
0x68: {  	v3 =	vmul.f32 $2.560000000e+02, v60  }
0x69: {  	v2 =	vadd.f32 $-1.258291200e+07, v2;
	v0 =	vmax.f32 v0, $0.0e+00;
	v1 =	vmax.f32 v1, $0.0e+00  }
0x6a: {  	v3 =	vadd.f32 $1.258291200e+07, v3;
	v0 =	vmin.f32 v0, $2.550000000e+02;
	v1 =	vmin.f32 v1, $1.500000000e+01  }
0x6b: {  	v2 =	vmax.f32 v2, $0.0e+00;
	v0 =	vmul.f32 $6.553600000e+04, v0;
	v1 =	vmul.f32 $4.096000000e+03, v1  }
0x6c: {  	v2 =	vmin.f32 v2, $1.500000000e+01  }
0x6d: {  	v3 =	vadd.f32 $-1.258291200e+07, v3;
	v61 =	vmul.f32 $2.560000000e+02, v2;
	v0 =	vadd.f32 v1, v0;
	_ =	sdelay $0x1  }
0x6e: {  	v62 =	vmax.f32 v3, $0.0e+00;
	v0 =	vadd.f32 v61, v0  }
0x6f: {  	v63 =	vmin.f32 v62, $2.550000000e+02  }
0x70: {  	v0 =	vadd.f32 v0, v63;
	_ =	sdelay $0x1  }
0x71: {  	v0 =	vtrunc.f32 v0  }
0x72: {  	v0 =	vcvt.f32.s32 v0  }
0x73: {  	p0 =	sne.s32 s24, $0x7F  }
.Ltmp0:
0x74: {  	_ = 	snop;
	(pc) =	sbr.rel @p0 .LBB2_2-.Ltmp0, $3  }
0x75: {  	_ =	sdelay $0x1  }
0x76: {  	s23 =	sadd.s32 $0x40, s23;
	s24 =	sadd.s32 $0x1, s24;
	s25 =	sor.u32 s25, s28  }
0x77: {  	[tilespmem:s25], [sflag:$0x3] =	stream.indirect_vreg.gather [hbm4b:s2+s3], $0x1, v0, vm0, $0xb8;
	[tilespmem:$0x14000] =	vst v63  }
0x78: {  	s23 =	simm.s32 $0x0  }
0x79: {  	[tilespmem:s23], [sflag:$0x1] =	stream.linear.gather [hbm4b:s6+s23], $0x8000, $0x38;
	[tilespmem:$0x14000] =	vst v63  }
0x7a: {  	_ =	swait.ge [sflag:s15], $0x8000  }
0x7b: {  	[sflag:s15] =	ssyncset.done $0x0  }
0x7c: {  	s24 =	simm.s32 $0x0;
	[sflag:s15] =	ssyncadd.s32 $0xFFFF8000  }
.LBB2_4:
0x7d: {  	s25 =	sshll.u32 s24, $0x8  }
0x7e: {  	s26 =	sand.u32 $0x3FFFFE00, s25  }
0x7f: {  	s25 =	sand.u32 $0x40, s23;
	s26 =	sadd.s32 $0x8000, s26  }
0x80: {  	s28 =	sor.u32 s25, s26  }
0x81: {  	v0 =	vld [tilespmem:s28+$0x0]  }
0x82: {  	v1 =	vld [tilespmem:s28+$0x100]  }
0x83: {  	v2 =	vld [tilespmem:s28+$0x180];
	_ =	sdelay $0x3  }
0x84: {  	v3 =	vld [tilespmem:s28+$0x80];
	v0 =	vmul.f32 $2.560000000e+02, v0;
	v1 =	vmul.f32 $1.600000000e+01, v1  }
0x85: {  	v2 =	vmul.f32 $1.600000000e+01, v2  }
0x86: {  	v0 =	vadd.f32 $1.258291200e+07, v0;
	v1 =	vadd.f32 $1.258291200e+07, v1  }
0x87: {  	v2 =	vadd.f32 $1.258291200e+07, v2  }
0x88: {  	v0 =	vadd.f32 $-1.258291200e+07, v0;
	v1 =	vadd.f32 $-1.258291200e+07, v1  }
0x89: {  	v3 =	vmul.f32 $2.560000000e+02, v3  }
0x8a: {  	v2 =	vadd.f32 $-1.258291200e+07, v2;
	v0 =	vmax.f32 v0, $0.0e+00;
	v1 =	vmax.f32 v1, $0.0e+00  }
0x8b: {  	v3 =	vadd.f32 $1.258291200e+07, v3;
	v0 =	vmin.f32 v0, $2.550000000e+02;
	v1 =	vmin.f32 v1, $1.500000000e+01  }
0x8c: {  	v2 =	vmax.f32 v2, $0.0e+00;
	v0 =	vmul.f32 $6.553600000e+04, v0;
	v1 =	vmul.f32 $4.096000000e+03, v1  }
0x8d: {  	v2 =	vmin.f32 v2, $1.500000000e+01  }
0x8e: {  	v3 =	vadd.f32 $-1.258291200e+07, v3;
	v43 =	vmul.f32 $2.560000000e+02, v2;
	v0 =	vadd.f32 v1, v0;
	_ =	sdelay $0x1  }
0x8f: {  	v44 =	vmax.f32 v3, $0.0e+00;
	v0 =	vadd.f32 v43, v0  }
0x90: {  	v45 =	vmin.f32 v44, $2.550000000e+02  }
0x91: {  	v0 =	vadd.f32 v0, v45;
	_ =	sdelay $0x1  }
0x92: {  	v0 =	vtrunc.f32 v0  }
0x93: {  	v0 =	vcvt.f32.s32 v0;
	_ =	sdelay $0x1  }
0x94: {  	s30 =	sshll.u32 s24, $0x6  }
0x95: {  	s28 =	sand.u32 $0x3FFFFF80, s30  }
0x96: {  	s31 =	sor.u32 $0x10, s25;
	s28 =	sadd.s32 $0x12000, s28  }
0x97: {  	s30 =	sor.u32 s31, s26;
	s29 =	sor.u32 s25, s28  }
0x98: {  	[tilespmem:s29], [sflag:$0x4] =	stream.indirect_vreg.gather [hbm4b:s2+s3], $0x1, v0, vm0, $0xb8;
	[tilespmem:$0x14000] =	vst v63  }
0x99: {  	v0 =	vld [tilespmem:s30+$0x0]  }
0x9a: {  	v46 =	vld [tilespmem:s30+$0x100]  }
0x9b: {  	v47 =	vld [tilespmem:s30+$0x180];
	_ =	sdelay $0x3  }
0x9c: {  	v48 =	vld [tilespmem:s30+$0x80];
	v0 =	vmul.f32 $2.560000000e+02, v0;
	v1 =	vmul.f32 $1.600000000e+01, v46  }
0x9d: {  	v2 =	vmul.f32 $1.600000000e+01, v47  }
0x9e: {  	v0 =	vadd.f32 $1.258291200e+07, v0;
	v1 =	vadd.f32 $1.258291200e+07, v1  }
0x9f: {  	v2 =	vadd.f32 $1.258291200e+07, v2  }
0xa0: {  	v0 =	vadd.f32 $-1.258291200e+07, v0;
	v1 =	vadd.f32 $-1.258291200e+07, v1  }
0xa1: {  	v3 =	vmul.f32 $2.560000000e+02, v48  }
0xa2: {  	v2 =	vadd.f32 $-1.258291200e+07, v2;
	v0 =	vmax.f32 v0, $0.0e+00;
	v1 =	vmax.f32 v1, $0.0e+00  }
0xa3: {  	v3 =	vadd.f32 $1.258291200e+07, v3;
	v0 =	vmin.f32 v0, $2.550000000e+02;
	v1 =	vmin.f32 v1, $1.500000000e+01  }
0xa4: {  	v2 =	vmax.f32 v2, $0.0e+00;
	v0 =	vmul.f32 $6.553600000e+04, v0;
	v1 =	vmul.f32 $4.096000000e+03, v1  }
0xa5: {  	v2 =	vmin.f32 v2, $1.500000000e+01  }
0xa6: {  	v3 =	vadd.f32 $-1.258291200e+07, v3;
	v49 =	vmul.f32 $2.560000000e+02, v2;
	v0 =	vadd.f32 v1, v0;
	_ =	sdelay $0x1  }
0xa7: {  	v50 =	vmax.f32 v3, $0.0e+00;
	v0 =	vadd.f32 v49, v0  }
0xa8: {  	v51 =	vmin.f32 v50, $2.550000000e+02  }
0xa9: {  	v0 =	vadd.f32 v0, v51;
	_ =	sdelay $0x1  }
0xaa: {  	v0 =	vtrunc.f32 v0  }
0xab: {  	v0 =	vcvt.f32.s32 v0;
	_ =	sdelay $0x4  }
0xac: {  	s29 =	sor.u32 s31, s28  }
0xad: {  	[tilespmem:s29], [sflag:$0x4] =	stream.indirect_vreg.gather [hbm4b:s2+s3], $0x1, v0, vm0, $0xb8;
	[tilespmem:$0x14000] =	vst v63  }
0xae: {  	s29 =	sor.u32 $0x20, s25  }
0xaf: {  	s31 =	sor.u32 s29, s26  }
0xb0: {  	v0 =	vld [tilespmem:s31+$0x0]  }
0xb1: {  	v52 =	vld [tilespmem:s31+$0x100]  }
0xb2: {  	v53 =	vld [tilespmem:s31+$0x180];
	_ =	sdelay $0x3  }
0xb3: {  	v54 =	vld [tilespmem:s31+$0x80];
	v0 =	vmul.f32 $2.560000000e+02, v0;
	v1 =	vmul.f32 $1.600000000e+01, v52  }
0xb4: {  	v2 =	vmul.f32 $1.600000000e+01, v53  }
0xb5: {  	v0 =	vadd.f32 $1.258291200e+07, v0;
	v1 =	vadd.f32 $1.258291200e+07, v1  }
0xb6: {  	v2 =	vadd.f32 $1.258291200e+07, v2  }
0xb7: {  	v0 =	vadd.f32 $-1.258291200e+07, v0;
	v1 =	vadd.f32 $-1.258291200e+07, v1  }
0xb8: {  	v3 =	vmul.f32 $2.560000000e+02, v54  }
0xb9: {  	v2 =	vadd.f32 $-1.258291200e+07, v2;
	v0 =	vmax.f32 v0, $0.0e+00;
	v1 =	vmax.f32 v1, $0.0e+00  }
0xba: {  	v3 =	vadd.f32 $1.258291200e+07, v3;
	v0 =	vmin.f32 v0, $2.550000000e+02;
	v1 =	vmin.f32 v1, $1.500000000e+01  }
0xbb: {  	v2 =	vmax.f32 v2, $0.0e+00;
	v0 =	vmul.f32 $6.553600000e+04, v0;
	v1 =	vmul.f32 $4.096000000e+03, v1  }
0xbc: {  	v2 =	vmin.f32 v2, $1.500000000e+01  }
0xbd: {  	v3 =	vadd.f32 $-1.258291200e+07, v3;
	v55 =	vmul.f32 $2.560000000e+02, v2;
	v0 =	vadd.f32 v1, v0;
	_ =	sdelay $0x1  }
0xbe: {  	v56 =	vmax.f32 v3, $0.0e+00;
	v0 =	vadd.f32 v55, v0  }
0xbf: {  	v57 =	vmin.f32 v56, $2.550000000e+02  }
0xc0: {  	v0 =	vadd.f32 v0, v57;
	_ =	sdelay $0x1  }
0xc1: {  	v0 =	vtrunc.f32 v0  }
0xc2: {  	v0 =	vcvt.f32.s32 v0;
	_ =	sdelay $0x3  }
0xc3: {  	s25 =	sor.u32 $0x30, s25  }
0xc4: {  	s29 =	sor.u32 s29, s28;
	s26 =	sor.u32 s25, s26  }
0xc5: {  	[tilespmem:s29], [sflag:$0x4] =	stream.indirect_vreg.gather [hbm4b:s2+s3], $0x1, v0, vm0, $0xb8;
	[tilespmem:$0x14000] =	vst v63  }
0xc6: {  	v0 =	vld [tilespmem:s26+$0x0]  }
0xc7: {  	v58 =	vld [tilespmem:s26+$0x100]  }
0xc8: {  	v59 =	vld [tilespmem:s26+$0x180];
	_ =	sdelay $0x3  }
0xc9: {  	v60 =	vld [tilespmem:s26+$0x80];
	v0 =	vmul.f32 $2.560000000e+02, v0;
	v1 =	vmul.f32 $1.600000000e+01, v58  }
0xca: {  	v2 =	vmul.f32 $1.600000000e+01, v59  }
0xcb: {  	v0 =	vadd.f32 $1.258291200e+07, v0;
	v1 =	vadd.f32 $1.258291200e+07, v1  }
0xcc: {  	v2 =	vadd.f32 $1.258291200e+07, v2  }
0xcd: {  	v0 =	vadd.f32 $-1.258291200e+07, v0;
	v1 =	vadd.f32 $-1.258291200e+07, v1  }
0xce: {  	v3 =	vmul.f32 $2.560000000e+02, v60  }
0xcf: {  	v2 =	vadd.f32 $-1.258291200e+07, v2;
	v0 =	vmax.f32 v0, $0.0e+00;
	v1 =	vmax.f32 v1, $0.0e+00  }
0xd0: {  	v3 =	vadd.f32 $1.258291200e+07, v3;
	v0 =	vmin.f32 v0, $2.550000000e+02;
	v1 =	vmin.f32 v1, $1.500000000e+01  }
0xd1: {  	v2 =	vmax.f32 v2, $0.0e+00;
	v0 =	vmul.f32 $6.553600000e+04, v0;
	v1 =	vmul.f32 $4.096000000e+03, v1  }
0xd2: {  	v2 =	vmin.f32 v2, $1.500000000e+01  }
0xd3: {  	v3 =	vadd.f32 $-1.258291200e+07, v3;
	v61 =	vmul.f32 $2.560000000e+02, v2;
	v0 =	vadd.f32 v1, v0;
	_ =	sdelay $0x1  }
0xd4: {  	v62 =	vmax.f32 v3, $0.0e+00;
	v0 =	vadd.f32 v61, v0  }
0xd5: {  	v63 =	vmin.f32 v62, $2.550000000e+02  }
0xd6: {  	v0 =	vadd.f32 v0, v63;
	_ =	sdelay $0x1  }
0xd7: {  	v0 =	vtrunc.f32 v0  }
0xd8: {  	v0 =	vcvt.f32.s32 v0  }
0xd9: {  	p0 =	sne.s32 s24, $0x7F  }
.Ltmp1:
0xda: {  	_ = 	snop;
	(pc) =	sbr.rel @p0 .LBB2_4-.Ltmp1, $3  }
0xdb: {  	_ =	sdelay $0x1  }
0xdc: {  	s24 =	sadd.s32 $0x1, s24;
	s23 =	sadd.s32 $0x40, s23;
	s25 =	sor.u32 s25, s28  }
0xdd: {  	[tilespmem:s25], [sflag:$0x4] =	stream.indirect_vreg.gather [hbm4b:s2+s3], $0x1, v0, vm0, $0xb8;
	[tilespmem:$0x14000] =	vst v63  }
0xde: {  	s23 =	simm.s32 $0x0  }
0xdf: {  	[tilespmem:s13], [sflag:$0x2] =	stream.linear.gather [hbm4b:s7+s23], $0x8000, $0x38;
	[tilespmem:$0x14000] =	vst v63  }
0xe0: {  	_ =	swait.ge [sflag:s16], $0x2000  }
0xe1: {  	[sflag:s16] =	ssyncset.done $0x0  }
0xe2: {  	[sflag:s16] =	ssyncadd.s32 $0xFFFFE000  }
0xe3: {  	[hbm4b:s8+s23] =	stream.linear.scatter [tilespmem:s17], [sflag:$0x5], $0x2000, $0x38;
	[tilespmem:$0x14000] =	vst v63  }
0xe4: {  	_ =	swait.ge [sflag:s14], $0x8000  }
0xe5: {  	[sflag:s14] =	ssyncset.done $0x0  }
0xe6: {  	[sflag:s14] =	ssyncadd.s32 $0xFFFF8000  }
0xe7: {  	_ =	swait.ge [sflag:s18], $0x2000  }
0xe8: {  	[sflag:s18] =	ssyncset.done $0x0  }
0xe9: {  	s24 =	simm.s32 $0x0;
	[sflag:s18] =	ssyncadd.s32 $0xFFFFE000  }
.LBB2_6:
0xea: {  	s26 =	sshll.u32 s24, $0x8  }
0xeb: {  	s25 =	sand.u32 $0x40, s23;
	s26 =	sand.u32 $0x3FFFFE00, s26  }
0xec: {  	s28 =	sor.u32 s25, s26  }
0xed: {  	v0 =	vld [tilespmem:s28+$0x0]  }
0xee: {  	v1 =	vld [tilespmem:s28+$0x100]  }
0xef: {  	v2 =	vld [tilespmem:s28+$0x180];
	_ =	sdelay $0x3  }
0xf0: {  	v3 =	vld [tilespmem:s28+$0x80];
	v0 =	vmul.f32 $2.560000000e+02, v0;
	v1 =	vmul.f32 $1.600000000e+01, v1  }
0xf1: {  	v2 =	vmul.f32 $1.600000000e+01, v2  }
0xf2: {  	v0 =	vadd.f32 $1.258291200e+07, v0;
	v1 =	vadd.f32 $1.258291200e+07, v1  }
0xf3: {  	v2 =	vadd.f32 $1.258291200e+07, v2  }
0xf4: {  	v0 =	vadd.f32 $-1.258291200e+07, v0;
	v1 =	vadd.f32 $-1.258291200e+07, v1  }
0xf5: {  	v3 =	vmul.f32 $2.560000000e+02, v3  }
0xf6: {  	v2 =	vadd.f32 $-1.258291200e+07, v2;
	v0 =	vmax.f32 v0, $0.0e+00;
	v1 =	vmax.f32 v1, $0.0e+00  }
0xf7: {  	v3 =	vadd.f32 $1.258291200e+07, v3;
	v0 =	vmin.f32 v0, $2.550000000e+02;
	v1 =	vmin.f32 v1, $1.500000000e+01  }
0xf8: {  	v2 =	vmax.f32 v2, $0.0e+00;
	v0 =	vmul.f32 $6.553600000e+04, v0;
	v1 =	vmul.f32 $4.096000000e+03, v1  }
0xf9: {  	v2 =	vmin.f32 v2, $1.500000000e+01  }
0xfa: {  	v3 =	vadd.f32 $-1.258291200e+07, v3;
	v43 =	vmul.f32 $2.560000000e+02, v2;
	v0 =	vadd.f32 v1, v0;
	_ =	sdelay $0x1  }
0xfb: {  	v44 =	vmax.f32 v3, $0.0e+00;
	v0 =	vadd.f32 v43, v0  }
0xfc: {  	v45 =	vmin.f32 v44, $2.550000000e+02  }
0xfd: {  	v0 =	vadd.f32 v0, v45;
	_ =	sdelay $0x1  }
0xfe: {  	v0 =	vtrunc.f32 v0  }
0xff: {  	v0 =	vcvt.f32.s32 v0;
	_ =	sdelay $0x1  }
0x100: {  	s30 =	sshll.u32 s24, $0x6  }
0x101: {  	s28 =	sand.u32 $0x3FFFFF80, s30  }
0x102: {  	s31 =	sor.u32 $0x10, s25;
	s28 =	sadd.s32 $0x10000, s28  }
0x103: {  	s30 =	sor.u32 s31, s26;
	s29 =	sor.u32 s25, s28  }
0x104: {  	[tilespmem:s29], [sflag:$0x3] =	stream.indirect_vreg.gather [hbm4b:s2+s3], $0x1, v0, vm0, $0xb8;
	[tilespmem:$0x14000] =	vst v63  }
0x105: {  	v0 =	vld [tilespmem:s30+$0x0]  }
0x106: {  	v46 =	vld [tilespmem:s30+$0x100]  }
0x107: {  	v47 =	vld [tilespmem:s30+$0x180];
	_ =	sdelay $0x3  }
0x108: {  	v48 =	vld [tilespmem:s30+$0x80];
	v0 =	vmul.f32 $2.560000000e+02, v0;
	v1 =	vmul.f32 $1.600000000e+01, v46  }
0x109: {  	v2 =	vmul.f32 $1.600000000e+01, v47  }
0x10a: {  	v0 =	vadd.f32 $1.258291200e+07, v0;
	v1 =	vadd.f32 $1.258291200e+07, v1  }
0x10b: {  	v2 =	vadd.f32 $1.258291200e+07, v2  }
0x10c: {  	v0 =	vadd.f32 $-1.258291200e+07, v0;
	v1 =	vadd.f32 $-1.258291200e+07, v1  }
0x10d: {  	v3 =	vmul.f32 $2.560000000e+02, v48  }
0x10e: {  	v2 =	vadd.f32 $-1.258291200e+07, v2;
	v0 =	vmax.f32 v0, $0.0e+00;
	v1 =	vmax.f32 v1, $0.0e+00  }
0x10f: {  	v3 =	vadd.f32 $1.258291200e+07, v3;
	v0 =	vmin.f32 v0, $2.550000000e+02;
	v1 =	vmin.f32 v1, $1.500000000e+01  }
0x110: {  	v2 =	vmax.f32 v2, $0.0e+00;
	v0 =	vmul.f32 $6.553600000e+04, v0;
	v1 =	vmul.f32 $4.096000000e+03, v1  }
0x111: {  	v2 =	vmin.f32 v2, $1.500000000e+01  }
0x112: {  	v3 =	vadd.f32 $-1.258291200e+07, v3;
	v49 =	vmul.f32 $2.560000000e+02, v2;
	v0 =	vadd.f32 v1, v0;
	_ =	sdelay $0x1  }
0x113: {  	v50 =	vmax.f32 v3, $0.0e+00;
	v0 =	vadd.f32 v49, v0  }
0x114: {  	v51 =	vmin.f32 v50, $2.550000000e+02  }
0x115: {  	v0 =	vadd.f32 v0, v51;
	_ =	sdelay $0x1  }
0x116: {  	v0 =	vtrunc.f32 v0  }
0x117: {  	v0 =	vcvt.f32.s32 v0;
	_ =	sdelay $0x4  }
0x118: {  	s29 =	sor.u32 s31, s28  }
0x119: {  	[tilespmem:s29], [sflag:$0x3] =	stream.indirect_vreg.gather [hbm4b:s2+s3], $0x1, v0, vm0, $0xb8;
	[tilespmem:$0x14000] =	vst v63  }
0x11a: {  	s29 =	sor.u32 $0x20, s25  }
0x11b: {  	s31 =	sor.u32 s29, s26  }
0x11c: {  	v0 =	vld [tilespmem:s31+$0x0]  }
0x11d: {  	v52 =	vld [tilespmem:s31+$0x100]  }
0x11e: {  	v53 =	vld [tilespmem:s31+$0x180];
	_ =	sdelay $0x3  }
0x11f: {  	v54 =	vld [tilespmem:s31+$0x80];
	v0 =	vmul.f32 $2.560000000e+02, v0;
	v1 =	vmul.f32 $1.600000000e+01, v52  }
0x120: {  	v2 =	vmul.f32 $1.600000000e+01, v53  }
0x121: {  	v0 =	vadd.f32 $1.258291200e+07, v0;
	v1 =	vadd.f32 $1.258291200e+07, v1  }
0x122: {  	v2 =	vadd.f32 $1.258291200e+07, v2  }
0x123: {  	v0 =	vadd.f32 $-1.258291200e+07, v0;
	v1 =	vadd.f32 $-1.258291200e+07, v1  }
0x124: {  	v3 =	vmul.f32 $2.560000000e+02, v54  }
0x125: {  	v2 =	vadd.f32 $-1.258291200e+07, v2;
	v0 =	vmax.f32 v0, $0.0e+00;
	v1 =	vmax.f32 v1, $0.0e+00  }
0x126: {  	v3 =	vadd.f32 $1.258291200e+07, v3;
	v0 =	vmin.f32 v0, $2.550000000e+02;
	v1 =	vmin.f32 v1, $1.500000000e+01  }
0x127: {  	v2 =	vmax.f32 v2, $0.0e+00;
	v0 =	vmul.f32 $6.553600000e+04, v0;
	v1 =	vmul.f32 $4.096000000e+03, v1  }
0x128: {  	v2 =	vmin.f32 v2, $1.500000000e+01  }
0x129: {  	v3 =	vadd.f32 $-1.258291200e+07, v3;
	v55 =	vmul.f32 $2.560000000e+02, v2;
	v0 =	vadd.f32 v1, v0;
	_ =	sdelay $0x1  }
0x12a: {  	v56 =	vmax.f32 v3, $0.0e+00;
	v0 =	vadd.f32 v55, v0  }
0x12b: {  	v57 =	vmin.f32 v56, $2.550000000e+02  }
0x12c: {  	v0 =	vadd.f32 v0, v57;
	_ =	sdelay $0x1  }
0x12d: {  	v0 =	vtrunc.f32 v0  }
0x12e: {  	v0 =	vcvt.f32.s32 v0;
	_ =	sdelay $0x3  }
0x12f: {  	s25 =	sor.u32 $0x30, s25  }
0x130: {  	s29 =	sor.u32 s29, s28;
	s26 =	sor.u32 s25, s26  }
0x131: {  	[tilespmem:s29], [sflag:$0x3] =	stream.indirect_vreg.gather [hbm4b:s2+s3], $0x1, v0, vm0, $0xb8;
	[tilespmem:$0x14000] =	vst v63  }
0x132: {  	v0 =	vld [tilespmem:s26+$0x0]  }
0x133: {  	v58 =	vld [tilespmem:s26+$0x100]  }
0x134: {  	v59 =	vld [tilespmem:s26+$0x180];
	_ =	sdelay $0x3  }
0x135: {  	v60 =	vld [tilespmem:s26+$0x80];
	v0 =	vmul.f32 $2.560000000e+02, v0;
	v1 =	vmul.f32 $1.600000000e+01, v58  }
0x136: {  	v2 =	vmul.f32 $1.600000000e+01, v59  }
0x137: {  	v0 =	vadd.f32 $1.258291200e+07, v0;
	v1 =	vadd.f32 $1.258291200e+07, v1  }
0x138: {  	v2 =	vadd.f32 $1.258291200e+07, v2  }
0x139: {  	v0 =	vadd.f32 $-1.258291200e+07, v0;
	v1 =	vadd.f32 $-1.258291200e+07, v1  }
0x13a: {  	v3 =	vmul.f32 $2.560000000e+02, v60  }
0x13b: {  	v2 =	vadd.f32 $-1.258291200e+07, v2;
	v0 =	vmax.f32 v0, $0.0e+00;
	v1 =	vmax.f32 v1, $0.0e+00  }
0x13c: {  	v3 =	vadd.f32 $1.258291200e+07, v3;
	v0 =	vmin.f32 v0, $2.550000000e+02;
	v1 =	vmin.f32 v1, $1.500000000e+01  }
0x13d: {  	v2 =	vmax.f32 v2, $0.0e+00;
	v0 =	vmul.f32 $6.553600000e+04, v0;
	v1 =	vmul.f32 $4.096000000e+03, v1  }
0x13e: {  	v2 =	vmin.f32 v2, $1.500000000e+01  }
0x13f: {  	v3 =	vadd.f32 $-1.258291200e+07, v3;
	v61 =	vmul.f32 $2.560000000e+02, v2;
	v0 =	vadd.f32 v1, v0;
	_ =	sdelay $0x1  }
0x140: {  	v62 =	vmax.f32 v3, $0.0e+00;
	v0 =	vadd.f32 v61, v0  }
0x141: {  	v63 =	vmin.f32 v62, $2.550000000e+02  }
0x142: {  	v0 =	vadd.f32 v0, v63;
	_ =	sdelay $0x1  }
0x143: {  	v0 =	vtrunc.f32 v0  }
0x144: {  	v0 =	vcvt.f32.s32 v0  }
0x145: {  	p0 =	sne.s32 s24, $0x7F  }
.Ltmp2:
0x146: {  	_ = 	snop;
	(pc) =	sbr.rel @p0 .LBB2_6-.Ltmp2, $3  }
0x147: {  	_ =	sdelay $0x1  }
0x148: {  	s23 =	sadd.s32 $0x40, s23;
	s24 =	sadd.s32 $0x1, s24;
	s25 =	sor.u32 s25, s28  }
0x149: {  	[tilespmem:s25], [sflag:$0x3] =	stream.indirect_vreg.gather [hbm4b:s2+s3], $0x1, v0, vm0, $0xb8;
	[tilespmem:$0x14000] =	vst v63  }
0x14a: {  	_ =	swait.ge [sflag:s19], $0x2000  }
0x14b: {  	[sflag:s19] =	ssyncset.done $0x0  }
0x14c: {  	s23 =	simm.s32 $0x0;
	[sflag:s19] =	ssyncadd.s32 $0xFFFFE000  }
0x14d: {  	[hbm4b:s9+s23] =	stream.linear.scatter [tilespmem:s20], [sflag:$0x6], $0x2000, $0x38;
	[tilespmem:$0x14000] =	vst v63  }
0x14e: {  	_ =	swait.ge [sflag:s15], $0x8000  }
0x14f: {  	[sflag:s15] =	ssyncset.done $0x0  }
0x150: {  	[sflag:s15] =	ssyncadd.s32 $0xFFFF8000  }
0x151: {  	_ =	swait.ge [sflag:s21], $0x2000  }
0x152: {  	[sflag:s21] =	ssyncset.done $0x0  }
0x153: {  	s24 =	simm.s32 $0x0;
	[sflag:s21] =	ssyncadd.s32 $0xFFFFE000  }
.LBB2_8:
0x154: {  	s25 =	sshll.u32 s24, $0x8  }
0x155: {  	s26 =	sand.u32 $0x3FFFFE00, s25  }
0x156: {  	s25 =	sand.u32 $0x40, s23;
	s26 =	sadd.s32 $0x8000, s26  }
0x157: {  	s28 =	sor.u32 s25, s26  }
0x158: {  	v0 =	vld [tilespmem:s28+$0x0]  }
0x159: {  	v1 =	vld [tilespmem:s28+$0x100]  }
0x15a: {  	v2 =	vld [tilespmem:s28+$0x180];
	_ =	sdelay $0x3  }
0x15b: {  	v3 =	vld [tilespmem:s28+$0x80];
	v0 =	vmul.f32 $2.560000000e+02, v0;
	v1 =	vmul.f32 $1.600000000e+01, v1  }
0x15c: {  	v2 =	vmul.f32 $1.600000000e+01, v2  }
0x15d: {  	v0 =	vadd.f32 $1.258291200e+07, v0;
	v1 =	vadd.f32 $1.258291200e+07, v1  }
0x15e: {  	v2 =	vadd.f32 $1.258291200e+07, v2  }
0x15f: {  	v0 =	vadd.f32 $-1.258291200e+07, v0;
	v1 =	vadd.f32 $-1.258291200e+07, v1  }
0x160: {  	v3 =	vmul.f32 $2.560000000e+02, v3  }
0x161: {  	v2 =	vadd.f32 $-1.258291200e+07, v2;
	v0 =	vmax.f32 v0, $0.0e+00;
	v1 =	vmax.f32 v1, $0.0e+00  }
0x162: {  	v3 =	vadd.f32 $1.258291200e+07, v3;
	v0 =	vmin.f32 v0, $2.550000000e+02;
	v1 =	vmin.f32 v1, $1.500000000e+01  }
0x163: {  	v2 =	vmax.f32 v2, $0.0e+00;
	v0 =	vmul.f32 $6.553600000e+04, v0;
	v1 =	vmul.f32 $4.096000000e+03, v1  }
0x164: {  	v2 =	vmin.f32 v2, $1.500000000e+01  }
0x165: {  	v3 =	vadd.f32 $-1.258291200e+07, v3;
	v43 =	vmul.f32 $2.560000000e+02, v2;
	v0 =	vadd.f32 v1, v0;
	_ =	sdelay $0x1  }
0x166: {  	v44 =	vmax.f32 v3, $0.0e+00;
	v0 =	vadd.f32 v43, v0  }
0x167: {  	v45 =	vmin.f32 v44, $2.550000000e+02  }
0x168: {  	v0 =	vadd.f32 v0, v45;
	_ =	sdelay $0x1  }
0x169: {  	v0 =	vtrunc.f32 v0  }
0x16a: {  	v0 =	vcvt.f32.s32 v0;
	_ =	sdelay $0x1  }
0x16b: {  	s30 =	sshll.u32 s24, $0x6  }
0x16c: {  	s28 =	sand.u32 $0x3FFFFF80, s30  }
0x16d: {  	s31 =	sor.u32 $0x10, s25;
	s28 =	sadd.s32 $0x12000, s28  }
0x16e: {  	s30 =	sor.u32 s31, s26;
	s29 =	sor.u32 s25, s28  }
0x16f: {  	[tilespmem:s29], [sflag:$0x4] =	stream.indirect_vreg.gather [hbm4b:s2+s3], $0x1, v0, vm0, $0xb8;
	[tilespmem:$0x14000] =	vst v63  }
0x170: {  	v0 =	vld [tilespmem:s30+$0x0]  }
0x171: {  	v46 =	vld [tilespmem:s30+$0x100]  }
0x172: {  	v47 =	vld [tilespmem:s30+$0x180];
	_ =	sdelay $0x3  }
0x173: {  	v48 =	vld [tilespmem:s30+$0x80];
	v0 =	vmul.f32 $2.560000000e+02, v0;
	v1 =	vmul.f32 $1.600000000e+01, v46  }
0x174: {  	v2 =	vmul.f32 $1.600000000e+01, v47  }
0x175: {  	v0 =	vadd.f32 $1.258291200e+07, v0;
	v1 =	vadd.f32 $1.258291200e+07, v1  }
0x176: {  	v2 =	vadd.f32 $1.258291200e+07, v2  }
0x177: {  	v0 =	vadd.f32 $-1.258291200e+07, v0;
	v1 =	vadd.f32 $-1.258291200e+07, v1  }
0x178: {  	v3 =	vmul.f32 $2.560000000e+02, v48  }
0x179: {  	v2 =	vadd.f32 $-1.258291200e+07, v2;
	v0 =	vmax.f32 v0, $0.0e+00;
	v1 =	vmax.f32 v1, $0.0e+00  }
0x17a: {  	v3 =	vadd.f32 $1.258291200e+07, v3;
	v0 =	vmin.f32 v0, $2.550000000e+02;
	v1 =	vmin.f32 v1, $1.500000000e+01  }
0x17b: {  	v2 =	vmax.f32 v2, $0.0e+00;
	v0 =	vmul.f32 $6.553600000e+04, v0;
	v1 =	vmul.f32 $4.096000000e+03, v1  }
0x17c: {  	v2 =	vmin.f32 v2, $1.500000000e+01  }
0x17d: {  	v3 =	vadd.f32 $-1.258291200e+07, v3;
	v49 =	vmul.f32 $2.560000000e+02, v2;
	v0 =	vadd.f32 v1, v0;
	_ =	sdelay $0x1  }
0x17e: {  	v50 =	vmax.f32 v3, $0.0e+00;
	v0 =	vadd.f32 v49, v0  }
0x17f: {  	v51 =	vmin.f32 v50, $2.550000000e+02  }
0x180: {  	v0 =	vadd.f32 v0, v51;
	_ =	sdelay $0x1  }
0x181: {  	v0 =	vtrunc.f32 v0  }
0x182: {  	v0 =	vcvt.f32.s32 v0;
	_ =	sdelay $0x4  }
0x183: {  	s29 =	sor.u32 s31, s28  }
0x184: {  	[tilespmem:s29], [sflag:$0x4] =	stream.indirect_vreg.gather [hbm4b:s2+s3], $0x1, v0, vm0, $0xb8;
	[tilespmem:$0x14000] =	vst v63  }
0x185: {  	s29 =	sor.u32 $0x20, s25  }
0x186: {  	s31 =	sor.u32 s29, s26  }
0x187: {  	v0 =	vld [tilespmem:s31+$0x0]  }
0x188: {  	v52 =	vld [tilespmem:s31+$0x100]  }
0x189: {  	v53 =	vld [tilespmem:s31+$0x180];
	_ =	sdelay $0x3  }
0x18a: {  	v54 =	vld [tilespmem:s31+$0x80];
	v0 =	vmul.f32 $2.560000000e+02, v0;
	v1 =	vmul.f32 $1.600000000e+01, v52  }
0x18b: {  	v2 =	vmul.f32 $1.600000000e+01, v53  }
0x18c: {  	v0 =	vadd.f32 $1.258291200e+07, v0;
	v1 =	vadd.f32 $1.258291200e+07, v1  }
0x18d: {  	v2 =	vadd.f32 $1.258291200e+07, v2  }
0x18e: {  	v0 =	vadd.f32 $-1.258291200e+07, v0;
	v1 =	vadd.f32 $-1.258291200e+07, v1  }
0x18f: {  	v3 =	vmul.f32 $2.560000000e+02, v54  }
0x190: {  	v2 =	vadd.f32 $-1.258291200e+07, v2;
	v0 =	vmax.f32 v0, $0.0e+00;
	v1 =	vmax.f32 v1, $0.0e+00  }
0x191: {  	v3 =	vadd.f32 $1.258291200e+07, v3;
	v0 =	vmin.f32 v0, $2.550000000e+02;
	v1 =	vmin.f32 v1, $1.500000000e+01  }
0x192: {  	v2 =	vmax.f32 v2, $0.0e+00;
	v0 =	vmul.f32 $6.553600000e+04, v0;
	v1 =	vmul.f32 $4.096000000e+03, v1  }
0x193: {  	v2 =	vmin.f32 v2, $1.500000000e+01  }
0x194: {  	v3 =	vadd.f32 $-1.258291200e+07, v3;
	v55 =	vmul.f32 $2.560000000e+02, v2;
	v0 =	vadd.f32 v1, v0;
	_ =	sdelay $0x1  }
0x195: {  	v56 =	vmax.f32 v3, $0.0e+00;
	v0 =	vadd.f32 v55, v0  }
0x196: {  	v57 =	vmin.f32 v56, $2.550000000e+02  }
0x197: {  	v0 =	vadd.f32 v0, v57;
	_ =	sdelay $0x1  }
0x198: {  	v0 =	vtrunc.f32 v0  }
0x199: {  	v0 =	vcvt.f32.s32 v0;
	_ =	sdelay $0x3  }
0x19a: {  	s25 =	sor.u32 $0x30, s25  }
0x19b: {  	s29 =	sor.u32 s29, s28;
	s26 =	sor.u32 s25, s26  }
0x19c: {  	[tilespmem:s29], [sflag:$0x4] =	stream.indirect_vreg.gather [hbm4b:s2+s3], $0x1, v0, vm0, $0xb8;
	[tilespmem:$0x14000] =	vst v63  }
0x19d: {  	v0 =	vld [tilespmem:s26+$0x0]  }
0x19e: {  	v58 =	vld [tilespmem:s26+$0x100]  }
0x19f: {  	v59 =	vld [tilespmem:s26+$0x180];
	_ =	sdelay $0x3  }
0x1a0: {  	v60 =	vld [tilespmem:s26+$0x80];
	v0 =	vmul.f32 $2.560000000e+02, v0;
	v1 =	vmul.f32 $1.600000000e+01, v58  }
0x1a1: {  	v2 =	vmul.f32 $1.600000000e+01, v59  }
0x1a2: {  	v0 =	vadd.f32 $1.258291200e+07, v0;
	v1 =	vadd.f32 $1.258291200e+07, v1  }
0x1a3: {  	v2 =	vadd.f32 $1.258291200e+07, v2  }
0x1a4: {  	v0 =	vadd.f32 $-1.258291200e+07, v0;
	v1 =	vadd.f32 $-1.258291200e+07, v1  }
0x1a5: {  	v3 =	vmul.f32 $2.560000000e+02, v60  }
0x1a6: {  	v2 =	vadd.f32 $-1.258291200e+07, v2;
	v0 =	vmax.f32 v0, $0.0e+00;
	v1 =	vmax.f32 v1, $0.0e+00  }
0x1a7: {  	v3 =	vadd.f32 $1.258291200e+07, v3;
	v0 =	vmin.f32 v0, $2.550000000e+02;
	v1 =	vmin.f32 v1, $1.500000000e+01  }
0x1a8: {  	v2 =	vmax.f32 v2, $0.0e+00;
	v0 =	vmul.f32 $6.553600000e+04, v0;
	v1 =	vmul.f32 $4.096000000e+03, v1  }
0x1a9: {  	v2 =	vmin.f32 v2, $1.500000000e+01  }
0x1aa: {  	v3 =	vadd.f32 $-1.258291200e+07, v3;
	v61 =	vmul.f32 $2.560000000e+02, v2;
	v0 =	vadd.f32 v1, v0;
	_ =	sdelay $0x1  }
0x1ab: {  	v62 =	vmax.f32 v3, $0.0e+00;
	v0 =	vadd.f32 v61, v0  }
0x1ac: {  	v63 =	vmin.f32 v62, $2.550000000e+02  }
0x1ad: {  	v0 =	vadd.f32 v0, v63;
	_ =	sdelay $0x1  }
0x1ae: {  	v0 =	vtrunc.f32 v0  }
0x1af: {  	v0 =	vcvt.f32.s32 v0  }
0x1b0: {  	p0 =	sne.s32 s24, $0x7F  }
.Ltmp3:
0x1b1: {  	_ = 	snop;
	(pc) =	sbr.rel @p0 .LBB2_8-.Ltmp3, $3  }
0x1b2: {  	_ =	sdelay $0x1  }
0x1b3: {  	s24 =	sadd.s32 $0x1, s24;
	s23 =	sadd.s32 $0x40, s23;
	s25 =	sor.u32 s25, s28  }
0x1b4: {  	[tilespmem:s25], [sflag:$0x4] =	stream.indirect_vreg.gather [hbm4b:s2+s3], $0x1, v0, vm0, $0xb8;
	[tilespmem:$0x14000] =	vst v63  }
0x1b5: {  	_ =	swait.ge [sflag:s16], $0x2000  }
0x1b6: {  	[sflag:s16] =	ssyncset.done $0x0  }
0x1b7: {  	[sflag:s16] =	ssyncadd.s32 $0xFFFFE000  }
0x1b8: {  	[hbm4b:s10+s3] =	stream.linear.scatter [tilespmem:s17], [sflag:$0x5], $0x2000, $0x38;
	[tilespmem:$0x14000] =	vst v63  }
0x1b9: {  	_ =	swait.ge [sflag:s19], $0x2000  }
0x1ba: {  	[sflag:s19] =	ssyncset.done $0x0  }
0x1bb: {  	s22 =	sadd.s32 $0x1, s22;
	[sflag:s19] =	ssyncadd.s32 $0xFFFFE000  }
0x1bc: {  	[hbm4b:s11+s3] =	stream.linear.scatter [tilespmem:s20], [sflag:$0x6], $0x2000, $0x38;
	[tilespmem:$0x14000] =	vst v63  }
0x1bd: {  	p0 =	sne.s32 s22, s12;
	_ =	swait.ge [sflag:s18], $0x2000  }
.Ltmp4:
0x1be: {  	[sflag:s18] =	ssyncset.done $0x0;
	(pc) =	sbr.rel @p0 .LBB2_1-.Ltmp4, $4  }
0x1bf: {  	[sflag:s18] =	ssyncadd.s32 $0xFFFFE000  }
0x1c0: {  	_ =	swait.ge [sflag:s21], $0x2000  }
0x1c1: {  	[sflag:s21] =	ssyncset.done $0x0  }
0x1c2: {  	[sflag:s21] =	ssyncadd.s32 $0xFFFFE000  }
0x1c3: {  	_ =	sfence.sel $0x180000  }
0x1c4: {  	[bflag:$0x0] =	sbarrier.arrive $0xFFFF  }
0x1c5: {  	p0 =	sne.s32 s1, $0x0;
	_ =	strace $0x90000047  }
0x1c6: {  	s0 =	sadd.s32 @!p0 $0x100000, s0;
	[bflag:$0x2] =	sbarrier.arrive $0xFFFF  }
0x1c7: {  	[sflag:s0] =	ssyncadd.tile.s32 @!p0 $0x1;
	_ =	shalt  }
.Lfunc_end2:
_tile_overlayer_lowered:
.L_overlay_start_2:
0x1c8: {  	(tag) =	ssettag $0x2  }
0x1c9: {  	s0 =	rddreg [dreg:$0x0];
	s2 =	stileid.u32  }
0x1ca: {  	s1 =	rddreg [dreg:$0x1];
	p0 =	sne.s32 s2, $0x0  }
0x1cb: {  	s3 =	rddreg [dreg:$0x2];
	[bflag:$0x3] =	sbarrier.arrive $0xFFFF;
	s2 =	simm.s32 @!p0 $0x1C07  }
0x1cc: {  	[timem:s3], [sflag:s2] =	dma.local @!p0 [hbm:s0], s1  }
0x1cd: {  	s0 =	simm.s32 @!p0 $0x7  }
0x1ce: {  	_ =	swait.ge @!p0 [sflag:s0], s1  }
0x1cf: {  	s1 =	ssub.s32 @!p0 $0x0, s1;
	[sflag:s0] =	ssyncset.done @!p0 $0x0  }
0x1d0: {  	[sflag:s0] =	ssyncadd.s32 @!p0 s1  }
0x1d1: {  	[bflag:$0x3] =	sbarrier.arrive $0xFFFF  }
0x1d2: {  	_ =	shalt  }

</sc_bundles>
